<compile_context>
chip_gen: v7x
topology: tpu7x:2x2x1
jax: 0.10.2.dev20260603
libtpu: 0.0.44.dev20260713+nightly
codegen_flags: <defaults>
</compile_context>

<pallas_src>
import functools

import jax
import jax.numpy as jnp
from jax import lax
from jax.experimental import pallas as pl
from jax.experimental.pallas import tpu as pltpu
from jax.experimental.pallas import tpu_sc as plsc

EMB_DIM = 32
LANES = 16
NUM_CORES = 2
NUM_SUBCORES = 16
NUM_WORKERS = NUM_CORES * NUM_SUBCORES
BATCH = 16384
BPW = BATCH // NUM_WORKERS
GCHUNK = 128


def _sc_body(p1_hbm, p2_hbm, w_hbm, out_hbm, idx1_v, idx2_v, rows1_v,
             rows2_v, out_v, sem):
  wid = lax.axis_index("s") * NUM_CORES + lax.axis_index("c")
  base = wid * BPW

  pltpu.sync_copy(p1_hbm.at[pl.ds(base, BPW)], idx1_v)
  pltpu.sync_copy(p2_hbm.at[pl.ds(base, BPW)], idx2_v)

  copies = []
  for j in range(BPW // GCHUNK):
    sl = pl.ds(j * GCHUNK, GCHUNK)
    copies.append(pltpu.async_copy(w_hbm.at[idx1_v.at[sl]], rows1_v.at[sl], sem))
    copies.append(pltpu.async_copy(w_hbm.at[idx2_v.at[sl]], rows2_v.at[sl], sem))
  for cp in copies:
    cp.wait()

  lane = lax.broadcasted_iota(jnp.int32, (LANES,), 0)

  def chunk_body(c, carry):
    res = jnp.zeros((LANES,), jnp.float32)
    for i in range(LANES):
      e = c * LANES + i
      r1 = rows1_v[e, :]
      r2 = rows2_v[e, :]
      a0, a1 = plsc.unpack(r1, format=plsc.PackFormat.INTERLEAVED)
      b0, b1 = plsc.unpack(r2, format=plsc.PackFormat.INTERLEAVED)
      prod = a0 * b0 + a1 * b1
      s = lax.reduce_sum_p.bind(prod, axes=(0,))
      res = jnp.where(lane == i, s, res)
    out_v[pl.ds(c * LANES, LANES)] = res
    return carry

  lax.fori_loop(0, BPW // LANES, chunk_body, 0)

  pltpu.sync_copy(out_v, out_hbm.at[pl.ds(base, BPW)])


@jax.jit
def _mf_dot(product1, product2, embedding_weight):
  wb = embedding_weight.astype(jnp.bfloat16)
  mesh = plsc.VectorSubcoreMesh(core_axis_name="c", subcore_axis_name="s")
  f = pl.kernel(
      _sc_body,
      out_type=jax.ShapeDtypeStruct((BATCH,), jnp.float32),
      mesh=mesh,
      scratch_types=[
          pltpu.VMEM((BPW,), jnp.int32),
          pltpu.VMEM((BPW,), jnp.int32),
          pltpu.VMEM((BPW, EMB_DIM), jnp.bfloat16),
          pltpu.VMEM((BPW, EMB_DIM), jnp.bfloat16),
          pltpu.VMEM((BPW,), jnp.float32),
          pltpu.SemaphoreType.DMA,
      ],
      compiler_params=pltpu.CompilerParams(needs_layout_passes=False,
                                           use_tc_tiling_on_sc=False),
  )
  return f(product1, product2, wb)


def kernel(product1, product2, embedding_weight):
  return _mf_dot(product1.astype(jnp.int32), product2.astype(jnp.int32),
                 embedding_weight)

# --- scband reference (transcript-rebuilt; emitter-appended) ---
"""Pipeline reference for scband-mfcontinuous-60516089201164 (READ-ONLY COPY).

The authoritative reference and input builder live on the scoring server;
editing this copy changes nothing except your own understanding.
"""

import jax, jax.numpy as jnp
import numpy as np

EMB_SIZE = 1000000
EMB_DIM = 32
BATCH = 16384

def setup_inputs(seed: int = 0) -> dict:
    key = jax.random.key(seed)
    k1, k2, k3 = jax.random.split(key, 3)
    product1 = jax.random.randint(k1, (BATCH,), 0, EMB_SIZE, dtype=jnp.int64 if jax.config.jax_enable_x64 else jnp.int32)
    product2 = jax.random.randint(k2, (BATCH,), 0, EMB_SIZE, dtype=jnp.int64 if jax.config.jax_enable_x64 else jnp.int32)
    # nn.Embedding default init: N(0, 1)
    embedding_weight = jax.random.normal(k3, (EMB_SIZE, EMB_DIM), dtype=jnp.float32)
    return {"product1": product1, "product2": product2, "embedding_weight": embedding_weight}

def reference(product1, product2, embedding_weight):
    emb_product1 = jnp.take(embedding_weight, product1, axis=0)
    emb_product2 = jnp.take(embedding_weight, product2, axis=0)
    interaction = jnp.sum((emb_product1 * emb_product2).astype(jnp.float32), axis=1)
    return interaction

if __name__ == "__main__":
    import jax
    _d = setup_inputs()
    print(jax.jit(kernel)(*tuple(_d.values())))

</pallas_src>

<mosaic_0001>
#map = affine_map<(d0, d1) -> (0)>
#map1 = affine_map<(d0, d1) -> (0, 0)>
module attributes {stable_mosaic.version = 14 : i64} {
  func.func @_sc_body(%arg0: i32, %arg1: i32, %arg2: memref<16384xi32, #tpu.memory_space<hbm>>, %arg3: memref<16384xi32, #tpu.memory_space<hbm>>, %arg4: memref<1000000x32xbf16, #tpu.memory_space<hbm>>, %arg5: memref<16384xf32, #tpu.memory_space<hbm>>, %arg6: memref<512xi32, #tpu.memory_space<vmem>>, %arg7: memref<512xi32, #tpu.memory_space<vmem>>, %arg8: memref<512x32xbf16, #tpu.memory_space<vmem>>, %arg9: memref<512x32xbf16, #tpu.memory_space<vmem>>, %arg10: memref<512xf32, #tpu.memory_space<vmem>>, %arg11: memref<!tpu.dma_semaphore, #tpu.memory_space<semaphore_mem>>) attributes {dimension_semantics = [#tpu.dimension_semantics<core_parallel>, #tpu.dimension_semantics<subcore_parallel>], iteration_bounds = array<i64: 2, 16>, scalar_prefetch = 0 : i64, scratch_operands = 6 : i64, tpu.core_type = #tpu.core_type<sc_vector_subcore>, window_params = [{transform_indices = #map}, {transform_indices = #map}, {transform_indices = #map1}, {transform_indices = #map}]} {
    %mul3A = arith.constant 2 : i32
    %mul3A_0 = arith.muli %arg1, %mul3A : i32
    %add3A = arith.addi %mul3A_0, %arg0 : i32
    %mul3A_1 = arith.constant 512 : i32
    %mul3A_2 = arith.muli %add3A, %mul3A_1 : i32
    "tpu.region"() ({
      %run_scoped3A = tpu.sem_alloc : memref<!tpu.dma_semaphore, #tpu.memory_space<semaphore_mem>>
      %dma_start3A_134 = tpu.memref_slice %arg2[%mul3A_2] : memref<16384xi32, #tpu.memory_space<hbm>> -> memref<512xi32, #tpu.memory_space<hbm>>
      %dma_start3A_135 = tpu.memref_slice %arg2[%mul3A_2] : memref<16384xi32, #tpu.memory_space<hbm>> -> memref<512xi32, #tpu.memory_space<hbm>>
      tpu.enqueue_dma source(%dma_start3A_135 : memref<512xi32, #tpu.memory_space<hbm>>) target(%arg6 : memref<512xi32, #tpu.memory_space<vmem>>) target_semaphore(%run_scoped3A : memref<!tpu.dma_semaphore, #tpu.memory_space<semaphore_mem>>)
      %dma_wait3A_136 = tpu.memref_slice %arg2[%mul3A_2] : memref<16384xi32, #tpu.memory_space<hbm>> -> memref<512xi32, #tpu.memory_space<hbm>>
      %dma_wait3A_137 = tpu.memref_slice %arg2[%mul3A_2] : memref<16384xi32, #tpu.memory_space<hbm>> -> memref<512xi32, #tpu.memory_space<hbm>>
      tpu.wait_dma2 semaphore(%run_scoped3A : memref<!tpu.dma_semaphore, #tpu.memory_space<semaphore_mem>>) src(%dma_wait3A_137 : memref<512xi32, #tpu.memory_space<hbm>>) dst(%arg6 : memref<512xi32, #tpu.memory_space<vmem>>)
      tpu.yield
    }) : () -> ()
    "tpu.region"() ({
      %run_scoped3A = tpu.sem_alloc : memref<!tpu.dma_semaphore, #tpu.memory_space<semaphore_mem>>
      %dma_start3A_134 = tpu.memref_slice %arg3[%mul3A_2] : memref<16384xi32, #tpu.memory_space<hbm>> -> memref<512xi32, #tpu.memory_space<hbm>>
      %dma_start3A_135 = tpu.memref_slice %arg3[%mul3A_2] : memref<16384xi32, #tpu.memory_space<hbm>> -> memref<512xi32, #tpu.memory_space<hbm>>
      tpu.enqueue_dma source(%dma_start3A_135 : memref<512xi32, #tpu.memory_space<hbm>>) target(%arg7 : memref<512xi32, #tpu.memory_space<vmem>>) target_semaphore(%run_scoped3A : memref<!tpu.dma_semaphore, #tpu.memory_space<semaphore_mem>>)
      %dma_wait3A_136 = tpu.memref_slice %arg3[%mul3A_2] : memref<16384xi32, #tpu.memory_space<hbm>> -> memref<512xi32, #tpu.memory_space<hbm>>
      %dma_wait3A_137 = tpu.memref_slice %arg3[%mul3A_2] : memref<16384xi32, #tpu.memory_space<hbm>> -> memref<512xi32, #tpu.memory_space<hbm>>
      tpu.wait_dma2 semaphore(%run_scoped3A : memref<!tpu.dma_semaphore, #tpu.memory_space<semaphore_mem>>) src(%dma_wait3A_137 : memref<512xi32, #tpu.memory_space<hbm>>) dst(%arg7 : memref<512xi32, #tpu.memory_space<vmem>>)
      tpu.yield
    }) : () -> ()
    %dma_start3A = arith.constant 0 : i32
    %dma_start3A_3 = arith.constant 0 : i32
    %dma_start3A_4 = tpu.memref_slice %arg8[%dma_start3A, %dma_start3A_3] : memref<512x32xbf16, #tpu.memory_space<vmem>> -> memref<128x32xbf16, #tpu.memory_space<vmem>>
    %dma_start3A_5 = arith.constant 0 : i32
    %dma_start3A_6 = tpu.memref_slice %arg6[%dma_start3A_5] : memref<512xi32, #tpu.memory_space<vmem>> -> memref<128xi32, #tpu.memory_space<vmem>>
    %dma_start3A_7 = arith.constant 0 : i32
    %dma_start3A_8 = arith.constant 0 : i32
    %dma_start3A_9 = tpu.memref_slice %arg4[%dma_start3A_7, %dma_start3A_8] : memref<1000000x32xbf16, #tpu.memory_space<hbm>> -> memref<1000000x32xbf16, #tpu.memory_space<hbm>>
    tpu.enqueue_indirect_dma source(%dma_start3A_9 : memref<1000000x32xbf16, #tpu.memory_space<hbm>>) target(%dma_start3A_4 : memref<128x32xbf16, #tpu.memory_space<vmem>>) offsets(%dma_start3A_6 : memref<128xi32, #tpu.memory_space<vmem>>) semaphore(%arg11 : memref<!tpu.dma_semaphore, #tpu.memory_space<semaphore_mem>>)
    %dma_start3A_10 = arith.constant 0 : i32
    %dma_start3A_11 = arith.constant 0 : i32
    %dma_start3A_12 = tpu.memref_slice %arg9[%dma_start3A_10, %dma_start3A_11] : memref<512x32xbf16, #tpu.memory_space<vmem>> -> memref<128x32xbf16, #tpu.memory_space<vmem>>
    %dma_start3A_13 = arith.constant 0 : i32
    %dma_start3A_14 = tpu.memref_slice %arg7[%dma_start3A_13] : memref<512xi32, #tpu.memory_space<vmem>> -> memref<128xi32, #tpu.memory_space<vmem>>
    %dma_start3A_15 = arith.constant 0 : i32
    %dma_start3A_16 = arith.constant 0 : i32
    %dma_start3A_17 = tpu.memref_slice %arg4[%dma_start3A_15, %dma_start3A_16] : memref<1000000x32xbf16, #tpu.memory_space<hbm>> -> memref<1000000x32xbf16, #tpu.memory_space<hbm>>
    tpu.enqueue_indirect_dma source(%dma_start3A_17 : memref<1000000x32xbf16, #tpu.memory_space<hbm>>) target(%dma_start3A_12 : memref<128x32xbf16, #tpu.memory_space<vmem>>) offsets(%dma_start3A_14 : memref<128xi32, #tpu.memory_space<vmem>>) semaphore(%arg11 : memref<!tpu.dma_semaphore, #tpu.memory_space<semaphore_mem>>)
    %dma_start3A_18 = arith.constant 128 : i32
    %dma_start3A_19 = arith.constant 0 : i32
    %dma_start3A_20 = tpu.memref_slice %arg8[%dma_start3A_18, %dma_start3A_19] : memref<512x32xbf16, #tpu.memory_space<vmem>> -> memref<128x32xbf16, #tpu.memory_space<vmem>>
    %dma_start3A_21 = arith.constant 128 : i32
    %dma_start3A_22 = tpu.memref_slice %arg6[%dma_start3A_21] : memref<512xi32, #tpu.memory_space<vmem>> -> memref<128xi32, #tpu.memory_space<vmem>>
    %dma_start3A_23 = arith.constant 0 : i32
    %dma_start3A_24 = arith.constant 0 : i32
    %dma_start3A_25 = tpu.memref_slice %arg4[%dma_start3A_23, %dma_start3A_24] : memref<1000000x32xbf16, #tpu.memory_space<hbm>> -> memref<1000000x32xbf16, #tpu.memory_space<hbm>>
    tpu.enqueue_indirect_dma source(%dma_start3A_25 : memref<1000000x32xbf16, #tpu.memory_space<hbm>>) target(%dma_start3A_20 : memref<128x32xbf16, #tpu.memory_space<vmem>>) offsets(%dma_start3A_22 : memref<128xi32, #tpu.memory_space<vmem>>) semaphore(%arg11 : memref<!tpu.dma_semaphore, #tpu.memory_space<semaphore_mem>>)
    %dma_start3A_26 = arith.constant 128 : i32
    %dma_start3A_27 = arith.constant 0 : i32
    %dma_start3A_28 = tpu.memref_slice %arg9[%dma_start3A_26, %dma_start3A_27] : memref<512x32xbf16, #tpu.memory_space<vmem>> -> memref<128x32xbf16, #tpu.memory_space<vmem>>
    %dma_start3A_29 = arith.constant 128 : i32
    %dma_start3A_30 = tpu.memref_slice %arg7[%dma_start3A_29] : memref<512xi32, #tpu.memory_space<vmem>> -> memref<128xi32, #tpu.memory_space<vmem>>
    %dma_start3A_31 = arith.constant 0 : i32
    %dma_start3A_32 = arith.constant 0 : i32
    %dma_start3A_33 = tpu.memref_slice %arg4[%dma_start3A_31, %dma_start3A_32] : memref<1000000x32xbf16, #tpu.memory_space<hbm>> -> memref<1000000x32xbf16, #tpu.memory_space<hbm>>
    tpu.enqueue_indirect_dma source(%dma_start3A_33 : memref<1000000x32xbf16, #tpu.memory_space<hbm>>) target(%dma_start3A_28 : memref<128x32xbf16, #tpu.memory_space<vmem>>) offsets(%dma_start3A_30 : memref<128xi32, #tpu.memory_space<vmem>>) semaphore(%arg11 : memref<!tpu.dma_semaphore, #tpu.memory_space<semaphore_mem>>)
    %dma_start3A_34 = arith.constant 256 : i32
    %dma_start3A_35 = arith.constant 0 : i32
    %dma_start3A_36 = tpu.memref_slice %arg8[%dma_start3A_34, %dma_start3A_35] : memref<512x32xbf16, #tpu.memory_space<vmem>> -> memref<128x32xbf16, #tpu.memory_space<vmem>>
    %dma_start3A_37 = arith.constant 256 : i32
    %dma_start3A_38 = tpu.memref_slice %arg6[%dma_start3A_37] : memref<512xi32, #tpu.memory_space<vmem>> -> memref<128xi32, #tpu.memory_space<vmem>>
    %dma_start3A_39 = arith.constant 0 : i32
    %dma_start3A_40 = arith.constant 0 : i32
    %dma_start3A_41 = tpu.memref_slice %arg4[%dma_start3A_39, %dma_start3A_40] : memref<1000000x32xbf16, #tpu.memory_space<hbm>> -> memref<1000000x32xbf16, #tpu.memory_space<hbm>>
    tpu.enqueue_indirect_dma source(%dma_start3A_41 : memref<1000000x32xbf16, #tpu.memory_space<hbm>>) target(%dma_start3A_36 : memref<128x32xbf16, #tpu.memory_space<vmem>>) offsets(%dma_start3A_38 : memref<128xi32, #tpu.memory_space<vmem>>) semaphore(%arg11 : memref<!tpu.dma_semaphore, #tpu.memory_space<semaphore_mem>>)
    %dma_start3A_42 = arith.constant 256 : i32
    %dma_start3A_43 = arith.constant 0 : i32
    %dma_start3A_44 = tpu.memref_slice %arg9[%dma_start3A_42, %dma_start3A_43] : memref<512x32xbf16, #tpu.memory_space<vmem>> -> memref<128x32xbf16, #tpu.memory_space<vmem>>
    %dma_start3A_45 = arith.constant 256 : i32
    %dma_start3A_46 = tpu.memref_slice %arg7[%dma_start3A_45] : memref<512xi32, #tpu.memory_space<vmem>> -> memref<128xi32, #tpu.memory_space<vmem>>
    %dma_start3A_47 = arith.constant 0 : i32
    %dma_start3A_48 = arith.constant 0 : i32
    %dma_start3A_49 = tpu.memref_slice %arg4[%dma_start3A_47, %dma_start3A_48] : memref<1000000x32xbf16, #tpu.memory_space<hbm>> -> memref<1000000x32xbf16, #tpu.memory_space<hbm>>
    tpu.enqueue_indirect_dma source(%dma_start3A_49 : memref<1000000x32xbf16, #tpu.memory_space<hbm>>) target(%dma_start3A_44 : memref<128x32xbf16, #tpu.memory_space<vmem>>) offsets(%dma_start3A_46 : memref<128xi32, #tpu.memory_space<vmem>>) semaphore(%arg11 : memref<!tpu.dma_semaphore, #tpu.memory_space<semaphore_mem>>)
    %dma_start3A_50 = arith.constant 384 : i32
    %dma_start3A_51 = arith.constant 0 : i32
    %dma_start3A_52 = tpu.memref_slice %arg8[%dma_start3A_50, %dma_start3A_51] : memref<512x32xbf16, #tpu.memory_space<vmem>> -> memref<128x32xbf16, #tpu.memory_space<vmem>>
    %dma_start3A_53 = arith.constant 384 : i32
    %dma_start3A_54 = tpu.memref_slice %arg6[%dma_start3A_53] : memref<512xi32, #tpu.memory_space<vmem>> -> memref<128xi32, #tpu.memory_space<vmem>>
    %dma_start3A_55 = arith.constant 0 : i32
    %dma_start3A_56 = arith.constant 0 : i32
    %dma_start3A_57 = tpu.memref_slice %arg4[%dma_start3A_55, %dma_start3A_56] : memref<1000000x32xbf16, #tpu.memory_space<hbm>> -> memref<1000000x32xbf16, #tpu.memory_space<hbm>>
    tpu.enqueue_indirect_dma source(%dma_start3A_57 : memref<1000000x32xbf16, #tpu.memory_space<hbm>>) target(%dma_start3A_52 : memref<128x32xbf16, #tpu.memory_space<vmem>>) offsets(%dma_start3A_54 : memref<128xi32, #tpu.memory_space<vmem>>) semaphore(%arg11 : memref<!tpu.dma_semaphore, #tpu.memory_space<semaphore_mem>>)
    %dma_start3A_58 = arith.constant 384 : i32
    %dma_start3A_59 = arith.constant 0 : i32
    %dma_start3A_60 = tpu.memref_slice %arg9[%dma_start3A_58, %dma_start3A_59] : memref<512x32xbf16, #tpu.memory_space<vmem>> -> memref<128x32xbf16, #tpu.memory_space<vmem>>
    %dma_start3A_61 = arith.constant 384 : i32
    %dma_start3A_62 = tpu.memref_slice %arg7[%dma_start3A_61] : memref<512xi32, #tpu.memory_space<vmem>> -> memref<128xi32, #tpu.memory_space<vmem>>
    %dma_start3A_63 = arith.constant 0 : i32
    %dma_start3A_64 = arith.constant 0 : i32
    %dma_start3A_65 = tpu.memref_slice %arg4[%dma_start3A_63, %dma_start3A_64] : memref<1000000x32xbf16, #tpu.memory_space<hbm>> -> memref<1000000x32xbf16, #tpu.memory_space<hbm>>
    tpu.enqueue_indirect_dma source(%dma_start3A_65 : memref<1000000x32xbf16, #tpu.memory_space<hbm>>) target(%dma_start3A_60 : memref<128x32xbf16, #tpu.memory_space<vmem>>) offsets(%dma_start3A_62 : memref<128xi32, #tpu.memory_space<vmem>>) semaphore(%arg11 : memref<!tpu.dma_semaphore, #tpu.memory_space<semaphore_mem>>)
    %dma_wait3A = arith.constant 0 : i32
    %dma_wait3A_66 = arith.constant 0 : i32
    %dma_wait3A_67 = tpu.memref_slice %arg8[%dma_wait3A, %dma_wait3A_66] : memref<512x32xbf16, #tpu.memory_space<vmem>> -> memref<128x32xbf16, #tpu.memory_space<vmem>>
    %dma_wait3A_68 = arith.constant 0 : i32
    %dma_wait3A_69 = tpu.memref_slice %arg6[%dma_wait3A_68] : memref<512xi32, #tpu.memory_space<vmem>> -> memref<128xi32, #tpu.memory_space<vmem>>
    %dma_wait3A_70 = arith.constant 0 : i32
    %dma_wait3A_71 = arith.constant 0 : i32
    %dma_wait3A_72 = tpu.memref_slice %arg4[%dma_wait3A_70, %dma_wait3A_71] : memref<1000000x32xbf16, #tpu.memory_space<hbm>> -> memref<1000000x32xbf16, #tpu.memory_space<hbm>>
    tpu.wait_indirect_dma semaphore(%arg11 : memref<!tpu.dma_semaphore, #tpu.memory_space<semaphore_mem>>) src(%dma_wait3A_72 : memref<1000000x32xbf16, #tpu.memory_space<hbm>>) dst(%dma_wait3A_67 : memref<128x32xbf16, #tpu.memory_space<vmem>>)
    %dma_wait3A_73 = arith.constant 0 : i32
    %dma_wait3A_74 = arith.constant 0 : i32
    %dma_wait3A_75 = tpu.memref_slice %arg9[%dma_wait3A_73, %dma_wait3A_74] : memref<512x32xbf16, #tpu.memory_space<vmem>> -> memref<128x32xbf16, #tpu.memory_space<vmem>>
    %dma_wait3A_76 = arith.constant 0 : i32
    %dma_wait3A_77 = tpu.memref_slice %arg7[%dma_wait3A_76] : memref<512xi32, #tpu.memory_space<vmem>> -> memref<128xi32, #tpu.memory_space<vmem>>
    %dma_wait3A_78 = arith.constant 0 : i32
    %dma_wait3A_79 = arith.constant 0 : i32
    %dma_wait3A_80 = tpu.memref_slice %arg4[%dma_wait3A_78, %dma_wait3A_79] : memref<1000000x32xbf16, #tpu.memory_space<hbm>> -> memref<1000000x32xbf16, #tpu.memory_space<hbm>>
    tpu.wait_indirect_dma semaphore(%arg11 : memref<!tpu.dma_semaphore, #tpu.memory_space<semaphore_mem>>) src(%dma_wait3A_80 : memref<1000000x32xbf16, #tpu.memory_space<hbm>>) dst(%dma_wait3A_75 : memref<128x32xbf16, #tpu.memory_space<vmem>>)
    %dma_wait3A_81 = arith.constant 128 : i32
    %dma_wait3A_82 = arith.constant 0 : i32
    %dma_wait3A_83 = tpu.memref_slice %arg8[%dma_wait3A_81, %dma_wait3A_82] : memref<512x32xbf16, #tpu.memory_space<vmem>> -> memref<128x32xbf16, #tpu.memory_space<vmem>>
    %dma_wait3A_84 = arith.constant 128 : i32
    %dma_wait3A_85 = tpu.memref_slice %arg6[%dma_wait3A_84] : memref<512xi32, #tpu.memory_space<vmem>> -> memref<128xi32, #tpu.memory_space<vmem>>
    %dma_wait3A_86 = arith.constant 0 : i32
    %dma_wait3A_87 = arith.constant 0 : i32
    %dma_wait3A_88 = tpu.memref_slice %arg4[%dma_wait3A_86, %dma_wait3A_87] : memref<1000000x32xbf16, #tpu.memory_space<hbm>> -> memref<1000000x32xbf16, #tpu.memory_space<hbm>>
    tpu.wait_indirect_dma semaphore(%arg11 : memref<!tpu.dma_semaphore, #tpu.memory_space<semaphore_mem>>) src(%dma_wait3A_88 : memref<1000000x32xbf16, #tpu.memory_space<hbm>>) dst(%dma_wait3A_83 : memref<128x32xbf16, #tpu.memory_space<vmem>>)
    %dma_wait3A_89 = arith.constant 128 : i32
    %dma_wait3A_90 = arith.constant 0 : i32
    %dma_wait3A_91 = tpu.memref_slice %arg9[%dma_wait3A_89, %dma_wait3A_90] : memref<512x32xbf16, #tpu.memory_space<vmem>> -> memref<128x32xbf16, #tpu.memory_space<vmem>>
    %dma_wait3A_92 = arith.constant 128 : i32
    %dma_wait3A_93 = tpu.memref_slice %arg7[%dma_wait3A_92] : memref<512xi32, #tpu.memory_space<vmem>> -> memref<128xi32, #tpu.memory_space<vmem>>
    %dma_wait3A_94 = arith.constant 0 : i32
    %dma_wait3A_95 = arith.constant 0 : i32
    %dma_wait3A_96 = tpu.memref_slice %arg4[%dma_wait3A_94, %dma_wait3A_95] : memref<1000000x32xbf16, #tpu.memory_space<hbm>> -> memref<1000000x32xbf16, #tpu.memory_space<hbm>>
    tpu.wait_indirect_dma semaphore(%arg11 : memref<!tpu.dma_semaphore, #tpu.memory_space<semaphore_mem>>) src(%dma_wait3A_96 : memref<1000000x32xbf16, #tpu.memory_space<hbm>>) dst(%dma_wait3A_91 : memref<128x32xbf16, #tpu.memory_space<vmem>>)
    %dma_wait3A_97 = arith.constant 256 : i32
    %dma_wait3A_98 = arith.constant 0 : i32
    %dma_wait3A_99 = tpu.memref_slice %arg8[%dma_wait3A_97, %dma_wait3A_98] : memref<512x32xbf16, #tpu.memory_space<vmem>> -> memref<128x32xbf16, #tpu.memory_space<vmem>>
    %dma_wait3A_100 = arith.constant 256 : i32
    %dma_wait3A_101 = tpu.memref_slice %arg6[%dma_wait3A_100] : memref<512xi32, #tpu.memory_space<vmem>> -> memref<128xi32, #tpu.memory_space<vmem>>
    %dma_wait3A_102 = arith.constant 0 : i32
    %dma_wait3A_103 = arith.constant 0 : i32
    %dma_wait3A_104 = tpu.memref_slice %arg4[%dma_wait3A_102, %dma_wait3A_103] : memref<1000000x32xbf16, #tpu.memory_space<hbm>> -> memref<1000000x32xbf16, #tpu.memory_space<hbm>>
    tpu.wait_indirect_dma semaphore(%arg11 : memref<!tpu.dma_semaphore, #tpu.memory_space<semaphore_mem>>) src(%dma_wait3A_104 : memref<1000000x32xbf16, #tpu.memory_space<hbm>>) dst(%dma_wait3A_99 : memref<128x32xbf16, #tpu.memory_space<vmem>>)
    %dma_wait3A_105 = arith.constant 256 : i32
    %dma_wait3A_106 = arith.constant 0 : i32
    %dma_wait3A_107 = tpu.memref_slice %arg9[%dma_wait3A_105, %dma_wait3A_106] : memref<512x32xbf16, #tpu.memory_space<vmem>> -> memref<128x32xbf16, #tpu.memory_space<vmem>>
    %dma_wait3A_108 = arith.constant 256 : i32
    %dma_wait3A_109 = tpu.memref_slice %arg7[%dma_wait3A_108] : memref<512xi32, #tpu.memory_space<vmem>> -> memref<128xi32, #tpu.memory_space<vmem>>
    %dma_wait3A_110 = arith.constant 0 : i32
    %dma_wait3A_111 = arith.constant 0 : i32
    %dma_wait3A_112 = tpu.memref_slice %arg4[%dma_wait3A_110, %dma_wait3A_111] : memref<1000000x32xbf16, #tpu.memory_space<hbm>> -> memref<1000000x32xbf16, #tpu.memory_space<hbm>>
    tpu.wait_indirect_dma semaphore(%arg11 : memref<!tpu.dma_semaphore, #tpu.memory_space<semaphore_mem>>) src(%dma_wait3A_112 : memref<1000000x32xbf16, #tpu.memory_space<hbm>>) dst(%dma_wait3A_107 : memref<128x32xbf16, #tpu.memory_space<vmem>>)
    %dma_wait3A_113 = arith.constant 384 : i32
    %dma_wait3A_114 = arith.constant 0 : i32
    %dma_wait3A_115 = tpu.memref_slice %arg8[%dma_wait3A_113, %dma_wait3A_114] : memref<512x32xbf16, #tpu.memory_space<vmem>> -> memref<128x32xbf16, #tpu.memory_space<vmem>>
    %dma_wait3A_116 = arith.constant 384 : i32
    %dma_wait3A_117 = tpu.memref_slice %arg6[%dma_wait3A_116] : memref<512xi32, #tpu.memory_space<vmem>> -> memref<128xi32, #tpu.memory_space<vmem>>
    %dma_wait3A_118 = arith.constant 0 : i32
    %dma_wait3A_119 = arith.constant 0 : i32
    %dma_wait3A_120 = tpu.memref_slice %arg4[%dma_wait3A_118, %dma_wait3A_119] : memref<1000000x32xbf16, #tpu.memory_space<hbm>> -> memref<1000000x32xbf16, #tpu.memory_space<hbm>>
    tpu.wait_indirect_dma semaphore(%arg11 : memref<!tpu.dma_semaphore, #tpu.memory_space<semaphore_mem>>) src(%dma_wait3A_120 : memref<1000000x32xbf16, #tpu.memory_space<hbm>>) dst(%dma_wait3A_115 : memref<128x32xbf16, #tpu.memory_space<vmem>>)
    %dma_wait3A_121 = arith.constant 384 : i32
    %dma_wait3A_122 = arith.constant 0 : i32
    %dma_wait3A_123 = tpu.memref_slice %arg9[%dma_wait3A_121, %dma_wait3A_122] : memref<512x32xbf16, #tpu.memory_space<vmem>> -> memref<128x32xbf16, #tpu.memory_space<vmem>>
    %dma_wait3A_124 = arith.constant 384 : i32
    %dma_wait3A_125 = tpu.memref_slice %arg7[%dma_wait3A_124] : memref<512xi32, #tpu.memory_space<vmem>> -> memref<128xi32, #tpu.memory_space<vmem>>
    %dma_wait3A_126 = arith.constant 0 : i32
    %dma_wait3A_127 = arith.constant 0 : i32
    %dma_wait3A_128 = tpu.memref_slice %arg4[%dma_wait3A_126, %dma_wait3A_127] : memref<1000000x32xbf16, #tpu.memory_space<hbm>> -> memref<1000000x32xbf16, #tpu.memory_space<hbm>>
    tpu.wait_indirect_dma semaphore(%arg11 : memref<!tpu.dma_semaphore, #tpu.memory_space<semaphore_mem>>) src(%dma_wait3A_128 : memref<1000000x32xbf16, #tpu.memory_space<hbm>>) dst(%dma_wait3A_123 : memref<128x32xbf16, #tpu.memory_space<vmem>>)
    %iota3A = tpu.iota {dimensions = array<i32: 0>} : vector<16xi32>
    %scan3A = arith.constant 0 : i32
    %scan3A_129 = arith.constant 0 : i32
    %scan3A_130 = arith.constant 32 : i32
    %scan3A_131 = arith.addi %scan3A_129, %scan3A_130 : i32
    %scan3A_132 = arith.constant 1 : i32
    scf.for %scan3A_134 = %scan3A_129 to %scan3A_131 step %scan3A_132  : i32 {
      %broadcast_in_dim3A = arith.constant 0.000000e+00 : f32
      %broadcast_in_dim3A_135 = vector.broadcast %broadcast_in_dim3A : f32 to vector<16xf32>
      %mul3A_136 = arith.constant 16 : i32
      %mul3A_137 = arith.muli %scan3A_134, %mul3A_136 : i32
      %add3A_138 = arith.constant 0 : i32
      %add3A_139 = arith.addi %mul3A_137, %add3A_138 : i32
      %get3A = arith.index_cast %add3A_139 : i32 to index
      %get3A_140 = arith.constant 0 : index
      %get3A_141 = tpu.vector_load %arg8[%get3A, %get3A_140] {strides = array<i32>} : memref<512x32xbf16, #tpu.memory_space<vmem>>, vector<32xbf16>,
      %get3A_142 = arith.index_cast %add3A_139 : i32 to index
      %get3A_143 = arith.constant 0 : index
      %get3A_144 = tpu.vector_load %arg9[%get3A_142, %get3A_143] {strides = array<i32>} : memref<512x32xbf16, #tpu.memory_space<vmem>>, vector<32xbf16>,
      %unpack3A = tpu.unpack_subelements %get3A_141, 0 {pack_format = #tpu.pack_format<interleaved>} : vector<32xbf16> -> vector<16xf32>
      %unpack3A_145 = tpu.unpack_subelements %get3A_141, 1 {pack_format = #tpu.pack_format<interleaved>} : vector<32xbf16> -> vector<16xf32>
      %unpack3A_146 = tpu.unpack_subelements %get3A_144, 0 {pack_format = #tpu.pack_format<interleaved>} : vector<32xbf16> -> vector<16xf32>
      %unpack3A_147 = tpu.unpack_subelements %get3A_144, 1 {pack_format = #tpu.pack_format<interleaved>} : vector<32xbf16> -> vector<16xf32>
      %mul3A_148 = arith.mulf %unpack3A, %unpack3A_146 : vector<16xf32>
      %mul3A_149 = arith.mulf %unpack3A_145, %unpack3A_147 : vector<16xf32>
      %add3A_150 = arith.addf %mul3A_148, %mul3A_149 : vector<16xf32>
      %reduce_sum3A = arith.constant true
      %reduce_sum3A_151 = vector.broadcast %reduce_sum3A : i1 to vector<16xi1>
      %reduce_sum3A_152 = tpu.scan <sum>, %add3A_150 masked %reduce_sum3A_151 : vector<16xf32>, vector<16xi1> -> vector<16xf32>
      %reduce_sum3A_153 = vector.extract %reduce_sum3A_152[15] : f32 from vector<16xf32>
      %eq3A = arith.constant 0 : i32
      %eq3A_154 = vector.broadcast %eq3A : i32 to vector<16xi32>
      %eq3A_155 = arith.cmpi eq, %iota3A, %eq3A_154 : vector<16xi32>
      %broadcast_in_dim3A_156 = vector.broadcast %reduce_sum3A_153 : f32 to vector<16xf32>
      %select_n3A = arith.select %eq3A_155, %broadcast_in_dim3A_156, %broadcast_in_dim3A_135 : vector<16xi1>, vector<16xf32>
      %mul3A_157 = arith.constant 16 : i32
      %mul3A_158 = arith.muli %scan3A_134, %mul3A_157 : i32
      %add3A_159 = arith.constant 1 : i32
      %add3A_160 = arith.addi %mul3A_158, %add3A_159 : i32
      %get3A_161 = arith.index_cast %add3A_160 : i32 to index
      %get3A_162 = arith.constant 0 : index
      %get3A_163 = tpu.vector_load %arg8[%get3A_161, %get3A_162] {strides = array<i32>} : memref<512x32xbf16, #tpu.memory_space<vmem>>, vector<32xbf16>,
      %get3A_164 = arith.index_cast %add3A_160 : i32 to index
      %get3A_165 = arith.constant 0 : index
      %get3A_166 = tpu.vector_load %arg9[%get3A_164, %get3A_165] {strides = array<i32>} : memref<512x32xbf16, #tpu.memory_space<vmem>>, vector<32xbf16>,
      %unpack3A_167 = tpu.unpack_subelements %get3A_163, 0 {pack_format = #tpu.pack_format<interleaved>} : vector<32xbf16> -> vector<16xf32>
      %unpack3A_168 = tpu.unpack_subelements %get3A_163, 1 {pack_format = #tpu.pack_format<interleaved>} : vector<32xbf16> -> vector<16xf32>
      %unpack3A_169 = tpu.unpack_subelements %get3A_166, 0 {pack_format = #tpu.pack_format<interleaved>} : vector<32xbf16> -> vector<16xf32>
      %unpack3A_170 = tpu.unpack_subelements %get3A_166, 1 {pack_format = #tpu.pack_format<interleaved>} : vector<32xbf16> -> vector<16xf32>
      %mul3A_171 = arith.mulf %unpack3A_167, %unpack3A_169 : vector<16xf32>
      %mul3A_172 = arith.mulf %unpack3A_168, %unpack3A_170 : vector<16xf32>
      %add3A_173 = arith.addf %mul3A_171, %mul3A_172 : vector<16xf32>
      %reduce_sum3A_174 = arith.constant true
      %reduce_sum3A_175 = vector.broadcast %reduce_sum3A_174 : i1 to vector<16xi1>
      %reduce_sum3A_176 = tpu.scan <sum>, %add3A_173 masked %reduce_sum3A_175 : vector<16xf32>, vector<16xi1> -> vector<16xf32>
      %reduce_sum3A_177 = vector.extract %reduce_sum3A_176[15] : f32 from vector<16xf32>
      %eq3A_178 = arith.constant 1 : i32
      %eq3A_179 = vector.broadcast %eq3A_178 : i32 to vector<16xi32>
      %eq3A_180 = arith.cmpi eq, %iota3A, %eq3A_179 : vector<16xi32>
      %broadcast_in_dim3A_181 = vector.broadcast %reduce_sum3A_177 : f32 to vector<16xf32>
      %select_n3A_182 = arith.select %eq3A_180, %broadcast_in_dim3A_181, %select_n3A : vector<16xi1>, vector<16xf32>
      %mul3A_183 = arith.constant 16 : i32
      %mul3A_184 = arith.muli %scan3A_134, %mul3A_183 : i32
      %add3A_185 = arith.constant 2 : i32
      %add3A_186 = arith.addi %mul3A_184, %add3A_185 : i32
      %get3A_187 = arith.index_cast %add3A_186 : i32 to index
      %get3A_188 = arith.constant 0 : index
      %get3A_189 = tpu.vector_load %arg8[%get3A_187, %get3A_188] {strides = array<i32>} : memref<512x32xbf16, #tpu.memory_space<vmem>>, vector<32xbf16>,
      %get3A_190 = arith.index_cast %add3A_186 : i32 to index
      %get3A_191 = arith.constant 0 : index
      %get3A_192 = tpu.vector_load %arg9[%get3A_190, %get3A_191] {strides = array<i32>} : memref<512x32xbf16, #tpu.memory_space<vmem>>, vector<32xbf16>,
      %unpack3A_193 = tpu.unpack_subelements %get3A_189, 0 {pack_format = #tpu.pack_format<interleaved>} : vector<32xbf16> -> vector<16xf32>
      %unpack3A_194 = tpu.unpack_subelements %get3A_189, 1 {pack_format = #tpu.pack_format<interleaved>} : vector<32xbf16> -> vector<16xf32>
      %unpack3A_195 = tpu.unpack_subelements %get3A_192, 0 {pack_format = #tpu.pack_format<interleaved>} : vector<32xbf16> -> vector<16xf32>
      %unpack3A_196 = tpu.unpack_subelements %get3A_192, 1 {pack_format = #tpu.pack_format<interleaved>} : vector<32xbf16> -> vector<16xf32>
      %mul3A_197 = arith.mulf %unpack3A_193, %unpack3A_195 : vector<16xf32>
      %mul3A_198 = arith.mulf %unpack3A_194, %unpack3A_196 : vector<16xf32>
      %add3A_199 = arith.addf %mul3A_197, %mul3A_198 : vector<16xf32>
      %reduce_sum3A_200 = arith.constant true
      %reduce_sum3A_201 = vector.broadcast %reduce_sum3A_200 : i1 to vector<16xi1>
      %reduce_sum3A_202 = tpu.scan <sum>, %add3A_199 masked %reduce_sum3A_201 : vector<16xf32>, vector<16xi1> -> vector<16xf32>
      %reduce_sum3A_203 = vector.extract %reduce_sum3A_202[15] : f32 from vector<16xf32>
      %eq3A_204 = arith.constant 2 : i32
      %eq3A_205 = vector.broadcast %eq3A_204 : i32 to vector<16xi32>
      %eq3A_206 = arith.cmpi eq, %iota3A, %eq3A_205 : vector<16xi32>
      %broadcast_in_dim3A_207 = vector.broadcast %reduce_sum3A_203 : f32 to vector<16xf32>
      %select_n3A_208 = arith.select %eq3A_206, %broadcast_in_dim3A_207, %select_n3A_182 : vector<16xi1>, vector<16xf32>
      %mul3A_209 = arith.constant 16 : i32
      %mul3A_210 = arith.muli %scan3A_134, %mul3A_209 : i32
      %add3A_211 = arith.constant 3 : i32
      %add3A_212 = arith.addi %mul3A_210, %add3A_211 : i32
      %get3A_213 = arith.index_cast %add3A_212 : i32 to index
      %get3A_214 = arith.constant 0 : index
      %get3A_215 = tpu.vector_load %arg8[%get3A_213, %get3A_214] {strides = array<i32>} : memref<512x32xbf16, #tpu.memory_space<vmem>>, vector<32xbf16>,
      %get3A_216 = arith.index_cast %add3A_212 : i32 to index
      %get3A_217 = arith.constant 0 : index
      %get3A_218 = tpu.vector_load %arg9[%get3A_216, %get3A_217] {strides = array<i32>} : memref<512x32xbf16, #tpu.memory_space<vmem>>, vector<32xbf16>,
      %unpack3A_219 = tpu.unpack_subelements %get3A_215, 0 {pack_format = #tpu.pack_format<interleaved>} : vector<32xbf16> -> vector<16xf32>
      %unpack3A_220 = tpu.unpack_subelements %get3A_215, 1 {pack_format = #tpu.pack_format<interleaved>} : vector<32xbf16> -> vector<16xf32>
      %unpack3A_221 = tpu.unpack_subelements %get3A_218, 0 {pack_format = #tpu.pack_format<interleaved>} : vector<32xbf16> -> vector<16xf32>
      %unpack3A_222 = tpu.unpack_subelements %get3A_218, 1 {pack_format = #tpu.pack_format<interleaved>} : vector<32xbf16> -> vector<16xf32>
      %mul3A_223 = arith.mulf %unpack3A_219, %unpack3A_221 : vector<16xf32>
      %mul3A_224 = arith.mulf %unpack3A_220, %unpack3A_222 : vector<16xf32>
      %add3A_225 = arith.addf %mul3A_223, %mul3A_224 : vector<16xf32>
      %reduce_sum3A_226 = arith.constant true
      %reduce_sum3A_227 = vector.broadcast %reduce_sum3A_226 : i1 to vector<16xi1>
      %reduce_sum3A_228 = tpu.scan <sum>, %add3A_225 masked %reduce_sum3A_227 : vector<16xf32>, vector<16xi1> -> vector<16xf32>
      %reduce_sum3A_229 = vector.extract %reduce_sum3A_228[15] : f32 from vector<16xf32>
      %eq3A_230 = arith.constant 3 : i32
      %eq3A_231 = vector.broadcast %eq3A_230 : i32 to vector<16xi32>
      %eq3A_232 = arith.cmpi eq, %iota3A, %eq3A_231 : vector<16xi32>
      %broadcast_in_dim3A_233 = vector.broadcast %reduce_sum3A_229 : f32 to vector<16xf32>
      %select_n3A_234 = arith.select %eq3A_232, %broadcast_in_dim3A_233, %select_n3A_208 : vector<16xi1>, vector<16xf32>
      %mul3A_235 = arith.constant 16 : i32
      %mul3A_236 = arith.muli %scan3A_134, %mul3A_235 : i32
      %add3A_237 = arith.constant 4 : i32
      %add3A_238 = arith.addi %mul3A_236, %add3A_237 : i32
      %get3A_239 = arith.index_cast %add3A_238 : i32 to index
      %get3A_240 = arith.constant 0 : index
      %get3A_241 = tpu.vector_load %arg8[%get3A_239, %get3A_240] {strides = array<i32>} : memref<512x32xbf16, #tpu.memory_space<vmem>>, vector<32xbf16>,
      %get3A_242 = arith.index_cast %add3A_238 : i32 to index
      %get3A_243 = arith.constant 0 : index
      %get3A_244 = tpu.vector_load %arg9[%get3A_242, %get3A_243] {strides = array<i32>} : memref<512x32xbf16, #tpu.memory_space<vmem>>, vector<32xbf16>,
      %unpack3A_245 = tpu.unpack_subelements %get3A_241, 0 {pack_format = #tpu.pack_format<interleaved>} : vector<32xbf16> -> vector<16xf32>
      %unpack3A_246 = tpu.unpack_subelements %get3A_241, 1 {pack_format = #tpu.pack_format<interleaved>} : vector<32xbf16> -> vector<16xf32>
      %unpack3A_247 = tpu.unpack_subelements %get3A_244, 0 {pack_format = #tpu.pack_format<interleaved>} : vector<32xbf16> -> vector<16xf32>
      %unpack3A_248 = tpu.unpack_subelements %get3A_244, 1 {pack_format = #tpu.pack_format<interleaved>} : vector<32xbf16> -> vector<16xf32>
      %mul3A_249 = arith.mulf %unpack3A_245, %unpack3A_247 : vector<16xf32>
      %mul3A_250 = arith.mulf %unpack3A_246, %unpack3A_248 : vector<16xf32>
      %add3A_251 = arith.addf %mul3A_249, %mul3A_250 : vector<16xf32>
      %reduce_sum3A_252 = arith.constant true
      %reduce_sum3A_253 = vector.broadcast %reduce_sum3A_252 : i1 to vector<16xi1>
      %reduce_sum3A_254 = tpu.scan <sum>, %add3A_251 masked %reduce_sum3A_253 : vector<16xf32>, vector<16xi1> -> vector<16xf32>
      %reduce_sum3A_255 = vector.extract %reduce_sum3A_254[15] : f32 from vector<16xf32>
      %eq3A_256 = arith.constant 4 : i32
      %eq3A_257 = vector.broadcast %eq3A_256 : i32 to vector<16xi32>
      %eq3A_258 = arith.cmpi eq, %iota3A, %eq3A_257 : vector<16xi32>
      %broadcast_in_dim3A_259 = vector.broadcast %reduce_sum3A_255 : f32 to vector<16xf32>
      %select_n3A_260 = arith.select %eq3A_258, %broadcast_in_dim3A_259, %select_n3A_234 : vector<16xi1>, vector<16xf32>
      %mul3A_261 = arith.constant 16 : i32
      %mul3A_262 = arith.muli %scan3A_134, %mul3A_261 : i32
      %add3A_263 = arith.constant 5 : i32
      %add3A_264 = arith.addi %mul3A_262, %add3A_263 : i32
      %get3A_265 = arith.index_cast %add3A_264 : i32 to index
      %get3A_266 = arith.constant 0 : index
      %get3A_267 = tpu.vector_load %arg8[%get3A_265, %get3A_266] {strides = array<i32>} : memref<512x32xbf16, #tpu.memory_space<vmem>>, vector<32xbf16>,
      %get3A_268 = arith.index_cast %add3A_264 : i32 to index
      %get3A_269 = arith.constant 0 : index
      %get3A_270 = tpu.vector_load %arg9[%get3A_268, %get3A_269] {strides = array<i32>} : memref<512x32xbf16, #tpu.memory_space<vmem>>, vector<32xbf16>,
      %unpack3A_271 = tpu.unpack_subelements %get3A_267, 0 {pack_format = #tpu.pack_format<interleaved>} : vector<32xbf16> -> vector<16xf32>
      %unpack3A_272 = tpu.unpack_subelements %get3A_267, 1 {pack_format = #tpu.pack_format<interleaved>} : vector<32xbf16> -> vector<16xf32>
      %unpack3A_273 = tpu.unpack_subelements %get3A_270, 0 {pack_format = #tpu.pack_format<interleaved>} : vector<32xbf16> -> vector<16xf32>
      %unpack3A_274 = tpu.unpack_subelements %get3A_270, 1 {pack_format = #tpu.pack_format<interleaved>} : vector<32xbf16> -> vector<16xf32>
      %mul3A_275 = arith.mulf %unpack3A_271, %unpack3A_273 : vector<16xf32>
      %mul3A_276 = arith.mulf %unpack3A_272, %unpack3A_274 : vector<16xf32>
      %add3A_277 = arith.addf %mul3A_275, %mul3A_276 : vector<16xf32>
      %reduce_sum3A_278 = arith.constant true
      %reduce_sum3A_279 = vector.broadcast %reduce_sum3A_278 : i1 to vector<16xi1>
      %reduce_sum3A_280 = tpu.scan <sum>, %add3A_277 masked %reduce_sum3A_279 : vector<16xf32>, vector<16xi1> -> vector<16xf32>
      %reduce_sum3A_281 = vector.extract %reduce_sum3A_280[15] : f32 from vector<16xf32>
      %eq3A_282 = arith.constant 5 : i32
      %eq3A_283 = vector.broadcast %eq3A_282 : i32 to vector<16xi32>
      %eq3A_284 = arith.cmpi eq, %iota3A, %eq3A_283 : vector<16xi32>
      %broadcast_in_dim3A_285 = vector.broadcast %reduce_sum3A_281 : f32 to vector<16xf32>
      %select_n3A_286 = arith.select %eq3A_284, %broadcast_in_dim3A_285, %select_n3A_260 : vector<16xi1>, vector<16xf32>
      %mul3A_287 = arith.constant 16 : i32
      %mul3A_288 = arith.muli %scan3A_134, %mul3A_287 : i32
      %add3A_289 = arith.constant 6 : i32
      %add3A_290 = arith.addi %mul3A_288, %add3A_289 : i32
      %get3A_291 = arith.index_cast %add3A_290 : i32 to index
      %get3A_292 = arith.constant 0 : index
      %get3A_293 = tpu.vector_load %arg8[%get3A_291, %get3A_292] {strides = array<i32>} : memref<512x32xbf16, #tpu.memory_space<vmem>>, vector<32xbf16>,
      %get3A_294 = arith.index_cast %add3A_290 : i32 to index
      %get3A_295 = arith.constant 0 : index
      %get3A_296 = tpu.vector_load %arg9[%get3A_294, %get3A_295] {strides = array<i32>} : memref<512x32xbf16, #tpu.memory_space<vmem>>, vector<32xbf16>,
      %unpack3A_297 = tpu.unpack_subelements %get3A_293, 0 {pack_format = #tpu.pack_format<interleaved>} : vector<32xbf16> -> vector<16xf32>
      %unpack3A_298 = tpu.unpack_subelements %get3A_293, 1 {pack_format = #tpu.pack_format<interleaved>} : vector<32xbf16> -> vector<16xf32>
      %unpack3A_299 = tpu.unpack_subelements %get3A_296, 0 {pack_format = #tpu.pack_format<interleaved>} : vector<32xbf16> -> vector<16xf32>
      %unpack3A_300 = tpu.unpack_subelements %get3A_296, 1 {pack_format = #tpu.pack_format<interleaved>} : vector<32xbf16> -> vector<16xf32>
      %mul3A_301 = arith.mulf %unpack3A_297, %unpack3A_299 : vector<16xf32>
      %mul3A_302 = arith.mulf %unpack3A_298, %unpack3A_300 : vector<16xf32>
      %add3A_303 = arith.addf %mul3A_301, %mul3A_302 : vector<16xf32>
      %reduce_sum3A_304 = arith.constant true
      %reduce_sum3A_305 = vector.broadcast %reduce_sum3A_304 : i1 to vector<16xi1>
      %reduce_sum3A_306 = tpu.scan <sum>, %add3A_303 masked %reduce_sum3A_305 : vector<16xf32>, vector<16xi1> -> vector<16xf32>
      %reduce_sum3A_307 = vector.extract %reduce_sum3A_306[15] : f32 from vector<16xf32>
      %eq3A_308 = arith.constant 6 : i32
      %eq3A_309 = vector.broadcast %eq3A_308 : i32 to vector<16xi32>
      %eq3A_310 = arith.cmpi eq, %iota3A, %eq3A_309 : vector<16xi32>
      %broadcast_in_dim3A_311 = vector.broadcast %reduce_sum3A_307 : f32 to vector<16xf32>
      %select_n3A_312 = arith.select %eq3A_310, %broadcast_in_dim3A_311, %select_n3A_286 : vector<16xi1>, vector<16xf32>
      %mul3A_313 = arith.constant 16 : i32
      %mul3A_314 = arith.muli %scan3A_134, %mul3A_313 : i32
      %add3A_315 = arith.constant 7 : i32
      %add3A_316 = arith.addi %mul3A_314, %add3A_315 : i32
      %get3A_317 = arith.index_cast %add3A_316 : i32 to index
      %get3A_318 = arith.constant 0 : index
      %get3A_319 = tpu.vector_load %arg8[%get3A_317, %get3A_318] {strides = array<i32>} : memref<512x32xbf16, #tpu.memory_space<vmem>>, vector<32xbf16>,
      %get3A_320 = arith.index_cast %add3A_316 : i32 to index
      %get3A_321 = arith.constant 0 : index
      %get3A_322 = tpu.vector_load %arg9[%get3A_320, %get3A_321] {strides = array<i32>} : memref<512x32xbf16, #tpu.memory_space<vmem>>, vector<32xbf16>,
      %unpack3A_323 = tpu.unpack_subelements %get3A_319, 0 {pack_format = #tpu.pack_format<interleaved>} : vector<32xbf16> -> vector<16xf32>
      %unpack3A_324 = tpu.unpack_subelements %get3A_319, 1 {pack_format = #tpu.pack_format<interleaved>} : vector<32xbf16> -> vector<16xf32>
      %unpack3A_325 = tpu.unpack_subelements %get3A_322, 0 {pack_format = #tpu.pack_format<interleaved>} : vector<32xbf16> -> vector<16xf32>
      %unpack3A_326 = tpu.unpack_subelements %get3A_322, 1 {pack_format = #tpu.pack_format<interleaved>} : vector<32xbf16> -> vector<16xf32>
      %mul3A_327 = arith.mulf %unpack3A_323, %unpack3A_325 : vector<16xf32>
      %mul3A_328 = arith.mulf %unpack3A_324, %unpack3A_326 : vector<16xf32>
      %add3A_329 = arith.addf %mul3A_327, %mul3A_328 : vector<16xf32>
      %reduce_sum3A_330 = arith.constant true
      %reduce_sum3A_331 = vector.broadcast %reduce_sum3A_330 : i1 to vector<16xi1>
      %reduce_sum3A_332 = tpu.scan <sum>, %add3A_329 masked %reduce_sum3A_331 : vector<16xf32>, vector<16xi1> -> vector<16xf32>
      %reduce_sum3A_333 = vector.extract %reduce_sum3A_332[15] : f32 from vector<16xf32>
      %eq3A_334 = arith.constant 7 : i32
      %eq3A_335 = vector.broadcast %eq3A_334 : i32 to vector<16xi32>
      %eq3A_336 = arith.cmpi eq, %iota3A, %eq3A_335 : vector<16xi32>
      %broadcast_in_dim3A_337 = vector.broadcast %reduce_sum3A_333 : f32 to vector<16xf32>
      %select_n3A_338 = arith.select %eq3A_336, %broadcast_in_dim3A_337, %select_n3A_312 : vector<16xi1>, vector<16xf32>
      %mul3A_339 = arith.constant 16 : i32
      %mul3A_340 = arith.muli %scan3A_134, %mul3A_339 : i32
      %add3A_341 = arith.constant 8 : i32
      %add3A_342 = arith.addi %mul3A_340, %add3A_341 : i32
      %get3A_343 = arith.index_cast %add3A_342 : i32 to index
      %get3A_344 = arith.constant 0 : index
      %get3A_345 = tpu.vector_load %arg8[%get3A_343, %get3A_344] {strides = array<i32>} : memref<512x32xbf16, #tpu.memory_space<vmem>>, vector<32xbf16>,
      %get3A_346 = arith.index_cast %add3A_342 : i32 to index
      %get3A_347 = arith.constant 0 : index
      %get3A_348 = tpu.vector_load %arg9[%get3A_346, %get3A_347] {strides = array<i32>} : memref<512x32xbf16, #tpu.memory_space<vmem>>, vector<32xbf16>,
      %unpack3A_349 = tpu.unpack_subelements %get3A_345, 0 {pack_format = #tpu.pack_format<interleaved>} : vector<32xbf16> -> vector<16xf32>
      %unpack3A_350 = tpu.unpack_subelements %get3A_345, 1 {pack_format = #tpu.pack_format<interleaved>} : vector<32xbf16> -> vector<16xf32>
      %unpack3A_351 = tpu.unpack_subelements %get3A_348, 0 {pack_format = #tpu.pack_format<interleaved>} : vector<32xbf16> -> vector<16xf32>
      %unpack3A_352 = tpu.unpack_subelements %get3A_348, 1 {pack_format = #tpu.pack_format<interleaved>} : vector<32xbf16> -> vector<16xf32>
      %mul3A_353 = arith.mulf %unpack3A_349, %unpack3A_351 : vector<16xf32>
      %mul3A_354 = arith.mulf %unpack3A_350, %unpack3A_352 : vector<16xf32>
      %add3A_355 = arith.addf %mul3A_353, %mul3A_354 : vector<16xf32>
      %reduce_sum3A_356 = arith.constant true
      %reduce_sum3A_357 = vector.broadcast %reduce_sum3A_356 : i1 to vector<16xi1>
      %reduce_sum3A_358 = tpu.scan <sum>, %add3A_355 masked %reduce_sum3A_357 : vector<16xf32>, vector<16xi1> -> vector<16xf32>
      %reduce_sum3A_359 = vector.extract %reduce_sum3A_358[15] : f32 from vector<16xf32>
      %eq3A_360 = arith.constant 8 : i32
      %eq3A_361 = vector.broadcast %eq3A_360 : i32 to vector<16xi32>
      %eq3A_362 = arith.cmpi eq, %iota3A, %eq3A_361 : vector<16xi32>
      %broadcast_in_dim3A_363 = vector.broadcast %reduce_sum3A_359 : f32 to vector<16xf32>
      %select_n3A_364 = arith.select %eq3A_362, %broadcast_in_dim3A_363, %select_n3A_338 : vector<16xi1>, vector<16xf32>
      %mul3A_365 = arith.constant 16 : i32
      %mul3A_366 = arith.muli %scan3A_134, %mul3A_365 : i32
      %add3A_367 = arith.constant 9 : i32
      %add3A_368 = arith.addi %mul3A_366, %add3A_367 : i32
      %get3A_369 = arith.index_cast %add3A_368 : i32 to index
      %get3A_370 = arith.constant 0 : index
      %get3A_371 = tpu.vector_load %arg8[%get3A_369, %get3A_370] {strides = array<i32>} : memref<512x32xbf16, #tpu.memory_space<vmem>>, vector<32xbf16>,
      %get3A_372 = arith.index_cast %add3A_368 : i32 to index
      %get3A_373 = arith.constant 0 : index
      %get3A_374 = tpu.vector_load %arg9[%get3A_372, %get3A_373] {strides = array<i32>} : memref<512x32xbf16, #tpu.memory_space<vmem>>, vector<32xbf16>,
      %unpack3A_375 = tpu.unpack_subelements %get3A_371, 0 {pack_format = #tpu.pack_format<interleaved>} : vector<32xbf16> -> vector<16xf32>
      %unpack3A_376 = tpu.unpack_subelements %get3A_371, 1 {pack_format = #tpu.pack_format<interleaved>} : vector<32xbf16> -> vector<16xf32>
      %unpack3A_377 = tpu.unpack_subelements %get3A_374, 0 {pack_format = #tpu.pack_format<interleaved>} : vector<32xbf16> -> vector<16xf32>
      %unpack3A_378 = tpu.unpack_subelements %get3A_374, 1 {pack_format = #tpu.pack_format<interleaved>} : vector<32xbf16> -> vector<16xf32>
      %mul3A_379 = arith.mulf %unpack3A_375, %unpack3A_377 : vector<16xf32>
      %mul3A_380 = arith.mulf %unpack3A_376, %unpack3A_378 : vector<16xf32>
      %add3A_381 = arith.addf %mul3A_379, %mul3A_380 : vector<16xf32>
      %reduce_sum3A_382 = arith.constant true
      %reduce_sum3A_383 = vector.broadcast %reduce_sum3A_382 : i1 to vector<16xi1>
      %reduce_sum3A_384 = tpu.scan <sum>, %add3A_381 masked %reduce_sum3A_383 : vector<16xf32>, vector<16xi1> -> vector<16xf32>
      %reduce_sum3A_385 = vector.extract %reduce_sum3A_384[15] : f32 from vector<16xf32>
      %eq3A_386 = arith.constant 9 : i32
      %eq3A_387 = vector.broadcast %eq3A_386 : i32 to vector<16xi32>
      %eq3A_388 = arith.cmpi eq, %iota3A, %eq3A_387 : vector<16xi32>
      %broadcast_in_dim3A_389 = vector.broadcast %reduce_sum3A_385 : f32 to vector<16xf32>
      %select_n3A_390 = arith.select %eq3A_388, %broadcast_in_dim3A_389, %select_n3A_364 : vector<16xi1>, vector<16xf32>
      %mul3A_391 = arith.constant 16 : i32
      %mul3A_392 = arith.muli %scan3A_134, %mul3A_391 : i32
      %add3A_393 = arith.constant 10 : i32
      %add3A_394 = arith.addi %mul3A_392, %add3A_393 : i32
      %get3A_395 = arith.index_cast %add3A_394 : i32 to index
      %get3A_396 = arith.constant 0 : index
      %get3A_397 = tpu.vector_load %arg8[%get3A_395, %get3A_396] {strides = array<i32>} : memref<512x32xbf16, #tpu.memory_space<vmem>>, vector<32xbf16>,
      %get3A_398 = arith.index_cast %add3A_394 : i32 to index
      %get3A_399 = arith.constant 0 : index
      %get3A_400 = tpu.vector_load %arg9[%get3A_398, %get3A_399] {strides = array<i32>} : memref<512x32xbf16, #tpu.memory_space<vmem>>, vector<32xbf16>,
      %unpack3A_401 = tpu.unpack_subelements %get3A_397, 0 {pack_format = #tpu.pack_format<interleaved>} : vector<32xbf16> -> vector<16xf32>
      %unpack3A_402 = tpu.unpack_subelements %get3A_397, 1 {pack_format = #tpu.pack_format<interleaved>} : vector<32xbf16> -> vector<16xf32>
      %unpack3A_403 = tpu.unpack_subelements %get3A_400, 0 {pack_format = #tpu.pack_format<interleaved>} : vector<32xbf16> -> vector<16xf32>
      %unpack3A_404 = tpu.unpack_subelements %get3A_400, 1 {pack_format = #tpu.pack_format<interleaved>} : vector<32xbf16> -> vector<16xf32>
      %mul3A_405 = arith.mulf %unpack3A_401, %unpack3A_403 : vector<16xf32>
      %mul3A_406 = arith.mulf %unpack3A_402, %unpack3A_404 : vector<16xf32>
      %add3A_407 = arith.addf %mul3A_405, %mul3A_406 : vector<16xf32>
      %reduce_sum3A_408 = arith.constant true
      %reduce_sum3A_409 = vector.broadcast %reduce_sum3A_408 : i1 to vector<16xi1>
      %reduce_sum3A_410 = tpu.scan <sum>, %add3A_407 masked %reduce_sum3A_409 : vector<16xf32>, vector<16xi1> -> vector<16xf32>
      %reduce_sum3A_411 = vector.extract %reduce_sum3A_410[15] : f32 from vector<16xf32>
      %eq3A_412 = arith.constant 10 : i32
      %eq3A_413 = vector.broadcast %eq3A_412 : i32 to vector<16xi32>
      %eq3A_414 = arith.cmpi eq, %iota3A, %eq3A_413 : vector<16xi32>
      %broadcast_in_dim3A_415 = vector.broadcast %reduce_sum3A_411 : f32 to vector<16xf32>
      %select_n3A_416 = arith.select %eq3A_414, %broadcast_in_dim3A_415, %select_n3A_390 : vector<16xi1>, vector<16xf32>
      %mul3A_417 = arith.constant 16 : i32
      %mul3A_418 = arith.muli %scan3A_134, %mul3A_417 : i32
      %add3A_419 = arith.constant 11 : i32
      %add3A_420 = arith.addi %mul3A_418, %add3A_419 : i32
      %get3A_421 = arith.index_cast %add3A_420 : i32 to index
      %get3A_422 = arith.constant 0 : index
      %get3A_423 = tpu.vector_load %arg8[%get3A_421, %get3A_422] {strides = array<i32>} : memref<512x32xbf16, #tpu.memory_space<vmem>>, vector<32xbf16>,
      %get3A_424 = arith.index_cast %add3A_420 : i32 to index
      %get3A_425 = arith.constant 0 : index
      %get3A_426 = tpu.vector_load %arg9[%get3A_424, %get3A_425] {strides = array<i32>} : memref<512x32xbf16, #tpu.memory_space<vmem>>, vector<32xbf16>,
      %unpack3A_427 = tpu.unpack_subelements %get3A_423, 0 {pack_format = #tpu.pack_format<interleaved>} : vector<32xbf16> -> vector<16xf32>
      %unpack3A_428 = tpu.unpack_subelements %get3A_423, 1 {pack_format = #tpu.pack_format<interleaved>} : vector<32xbf16> -> vector<16xf32>
      %unpack3A_429 = tpu.unpack_subelements %get3A_426, 0 {pack_format = #tpu.pack_format<interleaved>} : vector<32xbf16> -> vector<16xf32>
      %unpack3A_430 = tpu.unpack_subelements %get3A_426, 1 {pack_format = #tpu.pack_format<interleaved>} : vector<32xbf16> -> vector<16xf32>
      %mul3A_431 = arith.mulf %unpack3A_427, %unpack3A_429 : vector<16xf32>
      %mul3A_432 = arith.mulf %unpack3A_428, %unpack3A_430 : vector<16xf32>
      %add3A_433 = arith.addf %mul3A_431, %mul3A_432 : vector<16xf32>
      %reduce_sum3A_434 = arith.constant true
      %reduce_sum3A_435 = vector.broadcast %reduce_sum3A_434 : i1 to vector<16xi1>
      %reduce_sum3A_436 = tpu.scan <sum>, %add3A_433 masked %reduce_sum3A_435 : vector<16xf32>, vector<16xi1> -> vector<16xf32>
      %reduce_sum3A_437 = vector.extract %reduce_sum3A_436[15] : f32 from vector<16xf32>
      %eq3A_438 = arith.constant 11 : i32
      %eq3A_439 = vector.broadcast %eq3A_438 : i32 to vector<16xi32>
      %eq3A_440 = arith.cmpi eq, %iota3A, %eq3A_439 : vector<16xi32>
      %broadcast_in_dim3A_441 = vector.broadcast %reduce_sum3A_437 : f32 to vector<16xf32>
      %select_n3A_442 = arith.select %eq3A_440, %broadcast_in_dim3A_441, %select_n3A_416 : vector<16xi1>, vector<16xf32>
      %mul3A_443 = arith.constant 16 : i32
      %mul3A_444 = arith.muli %scan3A_134, %mul3A_443 : i32
      %add3A_445 = arith.constant 12 : i32
      %add3A_446 = arith.addi %mul3A_444, %add3A_445 : i32
      %get3A_447 = arith.index_cast %add3A_446 : i32 to index
      %get3A_448 = arith.constant 0 : index
      %get3A_449 = tpu.vector_load %arg8[%get3A_447, %get3A_448] {strides = array<i32>} : memref<512x32xbf16, #tpu.memory_space<vmem>>, vector<32xbf16>,
      %get3A_450 = arith.index_cast %add3A_446 : i32 to index
      %get3A_451 = arith.constant 0 : index
      %get3A_452 = tpu.vector_load %arg9[%get3A_450, %get3A_451] {strides = array<i32>} : memref<512x32xbf16, #tpu.memory_space<vmem>>, vector<32xbf16>,
      %unpack3A_453 = tpu.unpack_subelements %get3A_449, 0 {pack_format = #tpu.pack_format<interleaved>} : vector<32xbf16> -> vector<16xf32>
      %unpack3A_454 = tpu.unpack_subelements %get3A_449, 1 {pack_format = #tpu.pack_format<interleaved>} : vector<32xbf16> -> vector<16xf32>
      %unpack3A_455 = tpu.unpack_subelements %get3A_452, 0 {pack_format = #tpu.pack_format<interleaved>} : vector<32xbf16> -> vector<16xf32>
      %unpack3A_456 = tpu.unpack_subelements %get3A_452, 1 {pack_format = #tpu.pack_format<interleaved>} : vector<32xbf16> -> vector<16xf32>
      %mul3A_457 = arith.mulf %unpack3A_453, %unpack3A_455 : vector<16xf32>
      %mul3A_458 = arith.mulf %unpack3A_454, %unpack3A_456 : vector<16xf32>
      %add3A_459 = arith.addf %mul3A_457, %mul3A_458 : vector<16xf32>
      %reduce_sum3A_460 = arith.constant true
      %reduce_sum3A_461 = vector.broadcast %reduce_sum3A_460 : i1 to vector<16xi1>
      %reduce_sum3A_462 = tpu.scan <sum>, %add3A_459 masked %reduce_sum3A_461 : vector<16xf32>, vector<16xi1> -> vector<16xf32>
      %reduce_sum3A_463 = vector.extract %reduce_sum3A_462[15] : f32 from vector<16xf32>
      %eq3A_464 = arith.constant 12 : i32
      %eq3A_465 = vector.broadcast %eq3A_464 : i32 to vector<16xi32>
      %eq3A_466 = arith.cmpi eq, %iota3A, %eq3A_465 : vector<16xi32>
      %broadcast_in_dim3A_467 = vector.broadcast %reduce_sum3A_463 : f32 to vector<16xf32>
      %select_n3A_468 = arith.select %eq3A_466, %broadcast_in_dim3A_467, %select_n3A_442 : vector<16xi1>, vector<16xf32>
      %mul3A_469 = arith.constant 16 : i32
      %mul3A_470 = arith.muli %scan3A_134, %mul3A_469 : i32
      %add3A_471 = arith.constant 13 : i32
      %add3A_472 = arith.addi %mul3A_470, %add3A_471 : i32
      %get3A_473 = arith.index_cast %add3A_472 : i32 to index
      %get3A_474 = arith.constant 0 : index
      %get3A_475 = tpu.vector_load %arg8[%get3A_473, %get3A_474] {strides = array<i32>} : memref<512x32xbf16, #tpu.memory_space<vmem>>, vector<32xbf16>,
      %get3A_476 = arith.index_cast %add3A_472 : i32 to index
      %get3A_477 = arith.constant 0 : index
      %get3A_478 = tpu.vector_load %arg9[%get3A_476, %get3A_477] {strides = array<i32>} : memref<512x32xbf16, #tpu.memory_space<vmem>>, vector<32xbf16>,
      %unpack3A_479 = tpu.unpack_subelements %get3A_475, 0 {pack_format = #tpu.pack_format<interleaved>} : vector<32xbf16> -> vector<16xf32>
      %unpack3A_480 = tpu.unpack_subelements %get3A_475, 1 {pack_format = #tpu.pack_format<interleaved>} : vector<32xbf16> -> vector<16xf32>
      %unpack3A_481 = tpu.unpack_subelements %get3A_478, 0 {pack_format = #tpu.pack_format<interleaved>} : vector<32xbf16> -> vector<16xf32>
      %unpack3A_482 = tpu.unpack_subelements %get3A_478, 1 {pack_format = #tpu.pack_format<interleaved>} : vector<32xbf16> -> vector<16xf32>
      %mul3A_483 = arith.mulf %unpack3A_479, %unpack3A_481 : vector<16xf32>
      %mul3A_484 = arith.mulf %unpack3A_480, %unpack3A_482 : vector<16xf32>
      %add3A_485 = arith.addf %mul3A_483, %mul3A_484 : vector<16xf32>
      %reduce_sum3A_486 = arith.constant true
      %reduce_sum3A_487 = vector.broadcast %reduce_sum3A_486 : i1 to vector<16xi1>
      %reduce_sum3A_488 = tpu.scan <sum>, %add3A_485 masked %reduce_sum3A_487 : vector<16xf32>, vector<16xi1> -> vector<16xf32>
      %reduce_sum3A_489 = vector.extract %reduce_sum3A_488[15] : f32 from vector<16xf32>
      %eq3A_490 = arith.constant 13 : i32
      %eq3A_491 = vector.broadcast %eq3A_490 : i32 to vector<16xi32>
      %eq3A_492 = arith.cmpi eq, %iota3A, %eq3A_491 : vector<16xi32>
      %broadcast_in_dim3A_493 = vector.broadcast %reduce_sum3A_489 : f32 to vector<16xf32>
      %select_n3A_494 = arith.select %eq3A_492, %broadcast_in_dim3A_493, %select_n3A_468 : vector<16xi1>, vector<16xf32>
      %mul3A_495 = arith.constant 16 : i32
      %mul3A_496 = arith.muli %scan3A_134, %mul3A_495 : i32
      %add3A_497 = arith.constant 14 : i32
      %add3A_498 = arith.addi %mul3A_496, %add3A_497 : i32
      %get3A_499 = arith.index_cast %add3A_498 : i32 to index
      %get3A_500 = arith.constant 0 : index
      %get3A_501 = tpu.vector_load %arg8[%get3A_499, %get3A_500] {strides = array<i32>} : memref<512x32xbf16, #tpu.memory_space<vmem>>, vector<32xbf16>,
      %get3A_502 = arith.index_cast %add3A_498 : i32 to index
      %get3A_503 = arith.constant 0 : index
      %get3A_504 = tpu.vector_load %arg9[%get3A_502, %get3A_503] {strides = array<i32>} : memref<512x32xbf16, #tpu.memory_space<vmem>>, vector<32xbf16>,
      %unpack3A_505 = tpu.unpack_subelements %get3A_501, 0 {pack_format = #tpu.pack_format<interleaved>} : vector<32xbf16> -> vector<16xf32>
      %unpack3A_506 = tpu.unpack_subelements %get3A_501, 1 {pack_format = #tpu.pack_format<interleaved>} : vector<32xbf16> -> vector<16xf32>
      %unpack3A_507 = tpu.unpack_subelements %get3A_504, 0 {pack_format = #tpu.pack_format<interleaved>} : vector<32xbf16> -> vector<16xf32>
      %unpack3A_508 = tpu.unpack_subelements %get3A_504, 1 {pack_format = #tpu.pack_format<interleaved>} : vector<32xbf16> -> vector<16xf32>
      %mul3A_509 = arith.mulf %unpack3A_505, %unpack3A_507 : vector<16xf32>
      %mul3A_510 = arith.mulf %unpack3A_506, %unpack3A_508 : vector<16xf32>
      %add3A_511 = arith.addf %mul3A_509, %mul3A_510 : vector<16xf32>
      %reduce_sum3A_512 = arith.constant true
      %reduce_sum3A_513 = vector.broadcast %reduce_sum3A_512 : i1 to vector<16xi1>
      %reduce_sum3A_514 = tpu.scan <sum>, %add3A_511 masked %reduce_sum3A_513 : vector<16xf32>, vector<16xi1> -> vector<16xf32>
      %reduce_sum3A_515 = vector.extract %reduce_sum3A_514[15] : f32 from vector<16xf32>
      %eq3A_516 = arith.constant 14 : i32
      %eq3A_517 = vector.broadcast %eq3A_516 : i32 to vector<16xi32>
      %eq3A_518 = arith.cmpi eq, %iota3A, %eq3A_517 : vector<16xi32>
      %broadcast_in_dim3A_519 = vector.broadcast %reduce_sum3A_515 : f32 to vector<16xf32>
      %select_n3A_520 = arith.select %eq3A_518, %broadcast_in_dim3A_519, %select_n3A_494 : vector<16xi1>, vector<16xf32>
      %mul3A_521 = arith.constant 16 : i32
      %mul3A_522 = arith.muli %scan3A_134, %mul3A_521 : i32
      %add3A_523 = arith.constant 15 : i32
      %add3A_524 = arith.addi %mul3A_522, %add3A_523 : i32
      %get3A_525 = arith.index_cast %add3A_524 : i32 to index
      %get3A_526 = arith.constant 0 : index
      %get3A_527 = tpu.vector_load %arg8[%get3A_525, %get3A_526] {strides = array<i32>} : memref<512x32xbf16, #tpu.memory_space<vmem>>, vector<32xbf16>,
      %get3A_528 = arith.index_cast %add3A_524 : i32 to index
      %get3A_529 = arith.constant 0 : index
      %get3A_530 = tpu.vector_load %arg9[%get3A_528, %get3A_529] {strides = array<i32>} : memref<512x32xbf16, #tpu.memory_space<vmem>>, vector<32xbf16>,
      %unpack3A_531 = tpu.unpack_subelements %get3A_527, 0 {pack_format = #tpu.pack_format<interleaved>} : vector<32xbf16> -> vector<16xf32>
      %unpack3A_532 = tpu.unpack_subelements %get3A_527, 1 {pack_format = #tpu.pack_format<interleaved>} : vector<32xbf16> -> vector<16xf32>
      %unpack3A_533 = tpu.unpack_subelements %get3A_530, 0 {pack_format = #tpu.pack_format<interleaved>} : vector<32xbf16> -> vector<16xf32>
      %unpack3A_534 = tpu.unpack_subelements %get3A_530, 1 {pack_format = #tpu.pack_format<interleaved>} : vector<32xbf16> -> vector<16xf32>
      %mul3A_535 = arith.mulf %unpack3A_531, %unpack3A_533 : vector<16xf32>
      %mul3A_536 = arith.mulf %unpack3A_532, %unpack3A_534 : vector<16xf32>
      %add3A_537 = arith.addf %mul3A_535, %mul3A_536 : vector<16xf32>
      %reduce_sum3A_538 = arith.constant true
      %reduce_sum3A_539 = vector.broadcast %reduce_sum3A_538 : i1 to vector<16xi1>
      %reduce_sum3A_540 = tpu.scan <sum>, %add3A_537 masked %reduce_sum3A_539 : vector<16xf32>, vector<16xi1> -> vector<16xf32>
      %reduce_sum3A_541 = vector.extract %reduce_sum3A_540[15] : f32 from vector<16xf32>
      %eq3A_542 = arith.constant 15 : i32
      %eq3A_543 = vector.broadcast %eq3A_542 : i32 to vector<16xi32>
      %eq3A_544 = arith.cmpi eq, %iota3A, %eq3A_543 : vector<16xi32>
      %broadcast_in_dim3A_545 = vector.broadcast %reduce_sum3A_541 : f32 to vector<16xf32>
      %select_n3A_546 = arith.select %eq3A_544, %broadcast_in_dim3A_545, %select_n3A_520 : vector<16xi1>, vector<16xf32>
      %mul3A_547 = arith.constant 16 : i32
      %mul3A_548 = arith.muli %scan3A_134, %mul3A_547 : i32
      %swap3A = arith.index_cast %mul3A_548 : i32 to index
      %swap3A_549 = tpu.vector_load %arg10[%swap3A] {strides = array<i32>} : memref<512xf32, #tpu.memory_space<vmem>>, vector<16xf32>,
      tpu.vector_store %arg10[%swap3A], %select_n3A_546 {strides = array<i32>} : memref<512xf32, #tpu.memory_space<vmem>>, vector<16xf32>,
    }
    %scan3A_133 = arith.constant 32 : i32
    "tpu.region"() ({
      %run_scoped3A = tpu.sem_alloc : memref<!tpu.dma_semaphore, #tpu.memory_space<semaphore_mem>>
      %dma_start3A_134 = tpu.memref_slice %arg5[%mul3A_2] : memref<16384xf32, #tpu.memory_space<hbm>> -> memref<512xf32, #tpu.memory_space<hbm>>
      %dma_start3A_135 = tpu.memref_slice %arg5[%mul3A_2] : memref<16384xf32, #tpu.memory_space<hbm>> -> memref<512xf32, #tpu.memory_space<hbm>>
      tpu.enqueue_dma source(%arg10 : memref<512xf32, #tpu.memory_space<vmem>>) target(%dma_start3A_135 : memref<512xf32, #tpu.memory_space<hbm>>) target_semaphore(%run_scoped3A : memref<!tpu.dma_semaphore, #tpu.memory_space<semaphore_mem>>)
      %dma_wait3A_136 = tpu.memref_slice %arg5[%mul3A_2] : memref<16384xf32, #tpu.memory_space<hbm>> -> memref<512xf32, #tpu.memory_space<hbm>>
      %dma_wait3A_137 = tpu.memref_slice %arg5[%mul3A_2] : memref<16384xf32, #tpu.memory_space<hbm>> -> memref<512xf32, #tpu.memory_space<hbm>>
      tpu.wait_dma2 semaphore(%run_scoped3A : memref<!tpu.dma_semaphore, #tpu.memory_space<semaphore_mem>>) src(%arg10 : memref<512xf32, #tpu.memory_space<vmem>>) dst(%dma_wait3A_137 : memref<512xf32, #tpu.memory_space<hbm>>)
      tpu.yield
    }) : () -> ()
    return
  }
}

</mosaic_0001>

<sc_bundles>
// kernel: _mf_dot.3.cloned.1.call-start
scs
__scs_entry_jumppad:
0x0: {  	(pc) =	sbr.rel $0x88, $3  }
0x1: {  	(tag) =	ssettag $0x0;
	lr =	simm.s32 $0x1  }
0x2: {  	[smem:$0x3F9E] =	sst lr;
	_ =	strace $0xD0000000  }
0x3: {  	_ = 	snop  }
0x4: {  	_ = 	snop  }
0x5: {  	_ = 	snop  }
0x6: {  	_ = 	snop  }
0x7: {  	_ = 	snop  }
__scs_overlays_trampoline_lowered:
0x8: {  	[smem:$0x3FAD] =	sst s0  }
0x9: {  	[smem:$0x3FAE] =	sst s1  }
0xa: {  	[smem:$0x3FAF] =	sst s2  }
0xb: {  	[smem:$0x3FB0] =	sst s3  }
0xc: {  	[smem:$0x3FB1] =	sst s4  }
0xd: {  	[smem:$0x3FB2] =	sst s5  }
0xe: {  	[smem:$0x3FB3] =	sst s6  }
0xf: {  	[smem:$0x3FB4] =	sst s7  }
0x10: {  	[smem:$0x3FB5] =	sst s8  }
0x11: {  	[smem:$0x3FB6] =	sst s9;
	s0 =	simm.s32 @!p0 $0x0  }
0x12: {  	s1 =	sld [smem:$0x3F9C];
	s0 =	simm.s32 @p0 $0x1  }
0x13: {  	[smem:$0x3FB7] =	sst s0;
	s0 =	simm.s32 @!p1 $0x0  }
0x14: {  	s2 =	sld [smem:$0x3F9B];
	s0 =	simm.s32 @p1 $0x1  }
0x15: {  	[smem:$0x3FB8] =	sst s0;
	s0 =	simm.s32 @!p2 $0x0  }
0x16: {  	s3 =	sld [smem:$0x3FDB];
	s0 =	simm.s32 @p2 $0x1  }
0x17: {  	s4 =	simm.s32 $0x1BF5;
	[smem:$0x3FBA] =	sst s0  }
0x18: {  	s0 =	sld [smem:$0x3F9D];
	_ =	swait.ge [sflag:s4], $0x0  }
0x19: {  	s7 =	sld [smem:$0x3F9E]  }
0x1a: {  	s8 =	sadd.s32 $0xFFFFE003, lr  }
0x1b: {  	s9 =	sadd.s32 $0xFFFFFEF7, lr;
	s5 =	simm.s32 $0xFFFFFFFF;
	p2 =	slt.u32 s8, $0xFFFFF086  }
0x1c: {  	p1 =	slt.u32 s9, $0xF7A;
	s5 =	simm.s32 @!p2 $0x0  }
0x1d: {  	s5 =	simm.s32 @p1 $0x1;
	p0 =	seq.s32 s7, s2  }
0x1e: {  	s7 =	smul.u32 @!p0 $0xF7A, s2;
	p2 =	seq.s32 @!p0 s5, $0x0  }
0x1f: {  	s9 =	smul.u32 $0xF7A, s1;
	s8 =	simm.s32 @!p0 $0x1BF5;
	p2 =	por !p2, p0  }
0x20: {  	[sflag:s8] =	ssyncset.s32 @!p0 $0xFFFFF086;
	s6 =	sadd.s32 @!p0 s3, s7;
	s7 =	simm.s32 @!p0 $0x108  }
0x21: {  	s3 =	sadd.s32 s3, s9;
	s6 =	sadd.s32 @!p0 $0x88, s6;
	s7 =	simm.s32 @p2 $0x1082  }
0x22: {  	[simem:s7], [sflag:s8] =	dma.local @!p0 [hbm:s6], $0xF7A  }
0x23: {  	s9 =	sor.u32 $0xD0000000, s2;
	s6 =	simm.s32 $0x108;
	_ =	swait.ge @!p0 [sflag:s8], $0x0  }
0x24: {  	s3 =	sadd.s32 $0x88, s3;
	s6 =	simm.s32 @!p1 $0x1082;
	[sflag:s4] =	ssyncset.s32 $0xFFFFF086  }
0x25: {  	[simem:s6], [sflag:s4] =	dma.local [hbm:s3], $0xF7A  }
0x26: {  	[smem:$0x3F9E] =	sst s1;
	(tag) =	ssettag s2;
	_ =	strace s9  }
0x27: {  	s1 =	sld [smem:$0x3FAE]  }
0x28: {  	s2 =	sld [smem:$0x3FAF]  }
0x29: {  	s4 =	sld [smem:$0x3FB1]  }
0x2a: {  	p0 =	seq.s32 s5, $0x0;
	s5 =	sld [smem:$0x3FB2]  }
0x2b: {  	s6 =	sld [smem:$0x3FB3]  }
0x2c: {  	s7 =	sld [smem:$0x3FB4]  }
0x2d: {  	s3 =	simm.s32 $0x108;
	s8 =	sld [smem:$0x3FB5]  }
0x2e: {  	s3 =	simm.s32 @!p0 $0x1082;
	s9 =	sld [smem:$0x3FB6]  }
0x2f: {  	lr =	sadd.s32 s0, s3;
	s0 =	sld [smem:$0x3FAD]  }
0x30: {  	s3 =	sld [smem:$0x3FB0]  }
0x31: {  	[smem:$0x3FB9] =	sst s10  }
0x32: {  	s10 =	sld [smem:$0x3FB7];
	_ =	sdelay $0x3  }
0x33: {  	p0 =	seq.s32 s10, $0x1;
	s10 =	sld [smem:$0x3FB9];
	_ =	sdelay $0x3  }
0x34: {  	[smem:$0x3FB9] =	sst s10  }
0x35: {  	s10 =	sld [smem:$0x3FB8];
	_ =	sdelay $0x3  }
0x36: {  	p1 =	seq.s32 s10, $0x1;
	s10 =	sld [smem:$0x3FB9];
	_ =	sdelay $0x3  }
0x37: {  	[smem:$0x3FB9] =	sst s10  }
0x38: {  	s10 =	sld [smem:$0x3FBA]  }
0x39: {  	_ = 	snop;
	(pc) =	sbr.ind lr, $3  }
0x3a: {  	_ = 	snop  }
0x3b: {  	_ = 	snop  }
0x3c: {  	p2 =	seq.s32 s10, $0x1;
	s10 =	sld [smem:$0x3FB9]  }
0x3d: {  	_ =	shalt  }
0x3e: {  	_ =	shalt  }
0x3f: {  	_ =	shalt  }
0x40: {  	_ =	shalt  }
0x41: {  	_ =	shalt  }
0x42: {  	_ =	shalt  }
0x43: {  	_ =	shalt  }
0x44: {  	_ =	shalt  }
0x45: {  	_ =	shalt  }
0x46: {  	_ =	shalt  }
0x47: {  	_ =	shalt  }
0x48: {  	_ =	shalt  }
0x49: {  	_ =	shalt  }
0x4a: {  	_ =	shalt  }
0x4b: {  	_ =	shalt  }
0x4c: {  	_ =	shalt  }
0x4d: {  	_ =	shalt  }
0x4e: {  	_ =	shalt  }
0x4f: {  	_ =	shalt  }
0x50: {  	_ =	shalt  }
0x51: {  	_ =	shalt  }
0x52: {  	_ =	shalt  }
0x53: {  	_ =	shalt  }
0x54: {  	_ =	shalt  }
0x55: {  	_ =	shalt  }
0x56: {  	_ =	shalt  }
0x57: {  	_ =	shalt  }
0x58: {  	_ =	shalt  }
0x59: {  	_ =	shalt  }
0x5a: {  	_ =	shalt  }
0x5b: {  	_ =	shalt  }
0x5c: {  	_ =	shalt  }
0x5d: {  	_ =	shalt  }
0x5e: {  	_ =	shalt  }
0x5f: {  	_ =	shalt  }
0x60: {  	_ =	shalt  }
0x61: {  	_ =	shalt  }
0x62: {  	_ =	shalt  }
0x63: {  	_ =	shalt  }
0x64: {  	_ =	shalt  }
0x65: {  	_ =	shalt  }
0x66: {  	_ =	shalt  }
0x67: {  	_ =	shalt  }
0x68: {  	_ =	shalt  }
0x69: {  	_ =	shalt  }
0x6a: {  	_ =	shalt  }
0x6b: {  	_ =	shalt  }
0x6c: {  	_ =	shalt  }
0x6d: {  	_ =	shalt  }
0x6e: {  	_ =	shalt  }
0x6f: {  	_ =	shalt  }
0x70: {  	_ =	shalt  }
0x71: {  	_ =	shalt  }
0x72: {  	_ =	shalt  }
0x73: {  	_ =	shalt  }
0x74: {  	_ =	shalt  }
0x75: {  	_ =	shalt  }
0x76: {  	_ =	shalt  }
0x77: {  	_ =	shalt  }
0x78: {  	_ =	shalt  }
0x79: {  	_ =	shalt  }
0x7a: {  	_ =	shalt  }
0x7b: {  	_ =	shalt  }
0x7c: {  	_ =	shalt  }
0x7d: {  	_ =	shalt  }
0x7e: {  	_ =	shalt  }
0x7f: {  	_ =	shalt  }
0x80: {  	_ =	shalt  }
0x81: {  	_ =	shalt  }
0x82: {  	_ =	shalt  }
0x83: {  	_ =	shalt  }
0x84: {  	_ =	shalt  }
0x85: {  	_ =	shalt  }
0x86: {  	_ =	shalt  }
0x87: {  	_ =	shalt  }
.Lfunc_end0:
.L_simem_size_0:
called_computation.2_lowered:
.L_overlay_start_0:
0x88: {  	s2 =	sld [smem:$0x3FD9]  }
0x89: {  	s3 =	sld [smem:$0x3FFE];
	_ =	sdelay $0x1  }
0x8a: {  	s1 =	srdreg.scid  }
0x8b: {  	s0 =	sand.u32 $0x1, s1  }
0x8c: {  	s17 =	sshll.u32 s0, $0xA;
	s2 =	sadd.s32 s3, s2  }
0x8d: {  	s2 =	sadd.s32 s2, s17  }
0x8e: {  	[smem:$0x3FC5] =	sst s2  }
0x8f: {  	_ = 	snop  }
0x90: {  	s2 =	sld [smem:$0x3FC9]  }
0x91: {  	s18 =	sld [smem:$0x3FC8]  }
0x92: {  	s4 =	sld [smem:$0x3FD0];
	(tm) =	ssettm $0x1  }
0x93: {  	s5 =	sld [smem:$0x3FFB];
	_ =	sdelay $0x3  }
0x94: {  	_ =	strace s5  }
0x95: {  	s5 =	sld [smem:$0x3FFC];
	_ =	sdelay $0x3  }
0x96: {  	_ =	strace s5  }
0x97: {  	s5 =	sld [smem:$0x3FFD];
	_ =	sdelay $0x3  }
0x98: {  	_ =	strace s5  }
0x99: {  	_ =	strace $0x8FFFFFFF  }
0x9a: {  	s19 =	sld [smem:$0x3FDB];
	_ =	sdelay $0x1  }
0x9b: {  	s6 =	simm.s32 $_scs_section_size  }
0x9c: {  	s7 =	simm.s32 $_size__tile_overlayer_lowered;
	s8 =	simm.s32 $_tile_overlayer_lowered  }
0x9d: {  	s22 =	simm.s32 $0x1BFF;
	s21 =	sshll.u32 s8, $0x1;
	s5 =	sadd.s32 s6, s19  }
0x9e: {  	s9 =	simm.s32 $0x0;
	s20 =	sshll.u32 s7, $0x1;
	s7 =	sadd.s32 s21, s5  }
0x9f: {  	[timem:s9], [sflag:s22] =	dma.local [hbm:s7], s20  }
0xa0: {  	_ =	swait.ge [sflag:s22], s20  }
0xa1: {  	s6 =	ssub.s32 $0x0, s20;
	[sflag:s22] =	ssyncset.done $0x0  }
0xa2: {  	[sflag:s22] =	ssyncadd.s32 s6;
	_ =	sdelay $0x1  }
0xa3: {  	s23 =	simm.s32 $0x1B8B  }
0xa4: {  	_ =	swait.ge [sflag:s23], $0x1  }
0xa5: {  	[sflag:s23] =	ssyncset.done $0x0  }
0xa6: {  	s25 =	simm.s32 $0x1B8E;
	s24 =	sld [smem:$0x3FFE];
	[sflag:s23] =	ssyncadd.s32 $0xFFFFFFFF  }
0xa7: {  	s26 =	simm.s32 $execute0_lowered;
	[smem:$0x3FD2] =	sst s25  }
0xa8: {  	s7 =	sshll.u32 s26, $0x1;
	_ =	strace $0x8000004C;
	[dreg:$0x1] =	wrdreg $0xFFFFFFFF  }
0xa9: {  	s28 =	simm.s32 $_size_execute0_lowered;
	s5 =	sadd.s32 s5, s7;
	[dreg:$0x0] =	wrdreg $0x0  }
0xaa: {  	s7 =	sshll.u32 s28, $0x1;
	[dreg:$0x2] =	wrdreg s5  }
0xab: {  	[dreg:$0x3] =	wrdreg s7  }
0xac: {  	[dreg:$0x4] =	wrdreg $0xC0  }
0xad: {  	_ =	task [dreg:s9], $0x5FFFF  }
0xae: {  	[dreg:$0x1] =	wrdreg $0xFFFFFFFF  }
0xaf: {  	[dreg:$0x0] =	wrdreg $0x60  }
0xb0: {  	[dreg:$0x2] =	wrdreg s2  }
0xb1: {  	[dreg:$0x3] =	wrdreg s18  }
0xb2: {  	[dreg:$0x4] =	wrdreg s24  }
0xb3: {  	[dreg:$0x5] =	wrdreg s4  }
0xb4: {  	[dreg:$0x6] =	wrdreg $0x9  }
0xb5: {  	_ =	task.clear_ibuf [dreg:s9], $0x7FFFF;
	_ =	strace $0x9000004C  }
0xb6: {  	s29 =	simm.s32 $0x9;
	_ =	strace $0x8000004E  }
0xb7: {  	_ =	swait.ge [sflag:s29], $0x1  }
0xb8: {  	[sflag:s29] =	ssyncadd.s32 $0xFFFFFFFF  }
0xb9: {  	_ =	strace $0x9000004E  }
0xba: {  	_ =	sfence  }
0xbb: {  	s30 =	sld [smem:$0x0];
	_ =	sdelay $0x2  }
0xbc: {  	s31 =	sshll.u32 s1, $0xD;
	s1 =	sshrl.u32 s1, $0x2  }
0xbd: {  	s3 =	sand.u32 $0x4000, s31;
	s1 =	sadd.s32 s1, s30  }
0xbe: {  	s0 =	sor.u32 s3, s0;
	s1 =	sshll.u32 s1, $0x11  }
0xbf: {  	s0 =	sor.u32 s1, s0  }
0xc0: {  	s0 =	sadd.s32 $0x8F2B, s0  }
0xc1: {  	[sflag:s0] =	ssyncadd.remote.s32 $0x1  }
0xc2: {  	_ =	sfence.sel $0xFFFF  }
0xc3: {  	[dreg:$0x0] =	wrdreg $0xFFFFFFFF;
	(pc) =	sbr.abs _section_cstart, $3  }
0xc4: {  	[dreg:$0x1] =	wrdreg $0xFFFFFFFF  }
0xc5: {  	_ =	task.clear_ibuf [dreg:s9], $0x2FFFF;
	_ =	strace $0x9FFFFFFF  }
0xc6: {  	(tm) =	ssettm $0x7FFFFFFF  }
0xc7: {  	_ =	shalt  }
tec
execute0_lowered:
.L_overlay_start_1:
0x0: {  	(tag) =	ssettag $0x1  }
0x1: {  	s0 =	rddreg [dreg:$0x0]  }
0x2: {  	s5 =	rddreg [dreg:$0x1]  }
0x3: {  	s3 =	rddreg [dreg:$0x2]  }
0x4: {  	s6 =	rddreg [dreg:$0x3]  }
0x5: {  	s2 =	simm.s32 $0x0;
	s4 =	srdreg.scid;
	s1 =	stileid.u32  }
0x6: {  	s10 =	simm.s32 $0x80;
	s11 =	simm.s32 $0x400;
	s12 =	simm.s32 $0x2400  }
0x7: {  	s13 =	simm.s32 $0xC00;
	s14 =	simm.s32 $0x280;
	s15 =	simm.s32 $0x2C00  }
0x8: {  	s16 =	simm.s32 $0x100;
	s17 =	simm.s32 $0x1400;
	s18 =	simm.s32 $0x300  }
0x9: {  	s19 =	simm.s32 $0x3400;
	s20 =	simm.s32 $0x180;
	s21 =	simm.s32 $0x1C00  }
0xa: {  	s22 =	simm.s32 $0x380;
	s23 =	simm.s32 $0x3C00;
	s24 =	simm.s32 $0x1  }
0xb: {  	s25 =	simm.s32 $0x4400;
	s26 =	simm.s32 $0x0;
	s4 =	sand.u32 $0x1, s4  }
0xc: {  	vm0 =	vmmov $0x1;
	vm1 =	vmmov $0x3;
	vm2 =	vmmov $0x7;
	[smem:$0x7FF] =	sst s2;
	s8 =	sshll.u32 s1, $0x7;
	s7 =	ssub.s32 $0x2, s4  }
0xd: {  	vm3 =	vmmov $0xf;
	vm4 =	vmmov $0x1f;
	vm5 =	vmmov $0x3f;
	s3 =	sadd.s32 $0xC00, s3;
	s4 =	sshll.u32 s4, $0x6;
	s9 =	sshrl.u32 s7, $0x1  }
0xe: {  	vm6 =	vmmov $0x7f;
	vm7 =	vmmov $0xff;
	vm8 =	vmmov $0x1ff;
	_ =	strace $0x8000004D;
	s8 =	sor.u32 s4, s8;
	s7 =	ssub.s32 s7, s9  }
0xf: {  	vm9 =	vmmov $0x3ff;
	vm10 =	vmmov $0x7ff;
	vm11 =	vmmov $0xfff;
	s4 =	sadd.s32 s0, s8;
	s5 =	sadd.s32 s5, s8;
	s6 =	sadd.s32 s6, s8  }
0x10: {  	vm12 =	vmmov $0x1fff;
	vm13 =	vmmov $0x3fff;
	vm14 =	vmmov $0x7fff;
	s8 =	simm.s32 $0x2;
	s9 =	simm.s32 $0x200;
	s7 =	smax.u32 s7, $0x1  }
.LBB2_1:
0x11: {  	[tilespmem:s2], [sflag:$0x2] =	stream.linear.gather [hbm4b:s4+s2], $0x200, $0x38;
	[tilespmem:$0x4600] =	vst v63  }
0x12: {  	_ =	swait.ge [sflag:s8], $0x200  }
0x13: {  	[sflag:s8] =	ssyncset.done $0x0  }
0x14: {  	[sflag:s8] =	ssyncadd.s32 $0xFFFFFE00  }
0x15: {  	[tilespmem:s9], [sflag:$0x2] =	stream.linear.gather [hbm4b:s5+s2], $0x200, $0x38;
	[tilespmem:$0x4600] =	vst v63  }
0x16: {  	_ =	swait.ge [sflag:s8], $0x200  }
0x17: {  	[sflag:s8] =	ssyncset.done $0x0  }
0x18: {  	[sflag:s8] =	ssyncadd.s32 $0xFFFFFE00  }
0x19: {  	[tilespmem:s11], [sflag:$0x1] =	stream.indirect.gather [hbm4b:s3+s10], $0x10, s2, s10, $0xb8;
	[tilespmem:$0x4600] =	vst v63  }
0x1a: {  	_ = 	snop  }
0x1b: {  	[tilespmem:s12], [sflag:$0x1] =	stream.indirect.gather [hbm4b:s3+s10], $0x10, s9, s10, $0xb8;
	[tilespmem:$0x4600] =	vst v63  }
0x1c: {  	_ = 	snop  }
0x1d: {  	[tilespmem:s13], [sflag:$0x1] =	stream.indirect.gather [hbm4b:s3+s10], $0x10, s10, s10, $0xb8;
	[tilespmem:$0x4600] =	vst v63  }
0x1e: {  	_ = 	snop  }
0x1f: {  	[tilespmem:s15], [sflag:$0x1] =	stream.indirect.gather [hbm4b:s3+s10], $0x10, s14, s10, $0xb8;
	[tilespmem:$0x4600] =	vst v63  }
0x20: {  	_ = 	snop  }
0x21: {  	[tilespmem:s17], [sflag:$0x1] =	stream.indirect.gather [hbm4b:s3+s10], $0x10, s16, s10, $0xb8;
	[tilespmem:$0x4600] =	vst v63  }
0x22: {  	_ = 	snop  }
0x23: {  	[tilespmem:s19], [sflag:$0x1] =	stream.indirect.gather [hbm4b:s3+s10], $0x10, s18, s10, $0xb8;
	[tilespmem:$0x4600] =	vst v63  }
0x24: {  	_ = 	snop  }
0x25: {  	[tilespmem:s21], [sflag:$0x1] =	stream.indirect.gather [hbm4b:s3+s10], $0x10, s20, s10, $0xb8;
	[tilespmem:$0x4600] =	vst v63  }
0x26: {  	_ = 	snop  }
0x27: {  	[tilespmem:s23], [sflag:$0x1] =	stream.indirect.gather [hbm4b:s3+s10], $0x10, s22, s10, $0xb8;
	[tilespmem:$0x4600] =	vst v63  }
0x28: {  	_ =	swait.ge [sflag:s24], $0x800  }
0x29: {  	[sflag:s24] =	ssyncset.done $0x0  }
0x2a: {  	[sflag:s24] =	ssyncadd.s32 $0xFFFFF800  }
0x2b: {  	_ =	swait.ge [sflag:s24], $0x800  }
0x2c: {  	[sflag:s24] =	ssyncset.done $0x0  }
0x2d: {  	[sflag:s24] =	ssyncadd.s32 $0xFFFFF800  }
0x2e: {  	_ =	swait.ge [sflag:s24], $0x800  }
0x2f: {  	[sflag:s24] =	ssyncset.done $0x0  }
0x30: {  	[sflag:s24] =	ssyncadd.s32 $0xFFFFF800  }
0x31: {  	_ =	swait.ge [sflag:s24], $0x800  }
0x32: {  	[sflag:s24] =	ssyncset.done $0x0  }
0x33: {  	[sflag:s24] =	ssyncadd.s32 $0xFFFFF800  }
0x34: {  	_ =	swait.ge [sflag:s24], $0x800  }
0x35: {  	[sflag:s24] =	ssyncset.done $0x0  }
0x36: {  	[sflag:s24] =	ssyncadd.s32 $0xFFFFF800  }
0x37: {  	_ =	swait.ge [sflag:s24], $0x800  }
0x38: {  	[sflag:s24] =	ssyncset.done $0x0  }
0x39: {  	[sflag:s24] =	ssyncadd.s32 $0xFFFFF800  }
0x3a: {  	_ =	swait.ge [sflag:s24], $0x800  }
0x3b: {  	[sflag:s24] =	ssyncset.done $0x0  }
0x3c: {  	[sflag:s24] =	ssyncadd.s32 $0xFFFFF800  }
0x3d: {  	_ =	swait.ge [sflag:s24], $0x800  }
0x3e: {  	[sflag:s24] =	ssyncset.done $0x0  }
0x3f: {  	s28 =	simm.s32 $0x0;
	[sflag:s24] =	ssyncadd.s32 $0xFFFFF800  }
0x40: {  	v0 =	vld [tilespmem:s28+$0x2410]  }
0x41: {  	v1 =	vld [tilespmem:s28+$0x410]  }
0x42: {  	v2 =	vld [tilespmem:s28+$0x2400]  }
0x43: {  	v3 =	vld [tilespmem:s28+$0x400]  }
0x44: {  	v4 =	vld [tilespmem:s28+$0x2420]  }
0x45: {  	v6 =	vld [tilespmem:s28+$0x420];
	v5 =	vunpack.i.u.bf16.f32 v0  }
0x46: {  	v0 =	vunpack.i.l.bf16.f32 v0;
	v7 =	vunpack.i.u.bf16.f32 v1;
	v1 =	vunpack.i.l.bf16.f32 v1  }
0x47: {  	v9 =	vld [tilespmem:s28+$0x430];
	v8 =	vunpack.i.u.bf16.f32 v2;
	v0 =	vmul.f32 v0, v1;
	v1 =	vmul.f32 v5, v7  }
0x48: {  	v2 =	vunpack.i.l.bf16.f32 v2;
	v5 =	vld [tilespmem:s28+$0x2430];
	v7 =	vunpack.i.u.bf16.f32 v3;
	v3 =	vunpack.i.l.bf16.f32 v3  }
0x49: {  	v0 =	vadd.f32 v0, v1;
	v1 =	vmul.f32 v2, v3;
	v2 =	vmul.f32 v8, v7  }
0x4a: {  	v3 =	vunpack.i.l.bf16.f32 v4;
	v7 =	vunpack.i.l.bf16.f32 v6;
	v8 =	vld [tilespmem:s28+$0x2450]  }
0x4b: {  	v4 =	vunpack.i.u.bf16.f32 v4;
	(xrf2) =	vadd.scan.msk.f32 $0xffff, v0;
	v0 =	vunpack.i.u.bf16.f32 v6;
	v6 =	vld [tilespmem:s28+$0x2440];
	v1 =	vadd.f32 v1, v2  }
0x4c: {  	v2 =	vmul.f32 v3, v7;
	v7 =	vunpack.i.u.bf16.f32 v9;
	v0 =	vmul.f32 v4, v0;
	v4 =	vld [tilespmem:s28+$0x440]  }
0x4d: {  	v10 =	vld [tilespmem:s28+$0x450];
	v9 =	vunpack.i.l.bf16.f32 v9;
	v3 =	vunpack.i.u.bf16.f32 v5;
	v5 =	vunpack.i.l.bf16.f32 v5;
	(xrf2) =	vadd.scan.msk.f32 $0xffff, v1  }
0x4e: {  	v1 =	vmul.f32 v5, v9;
	v3 =	vmul.f32 v3, v7;
	v7 =	vld [tilespmem:s28+$0x2460]  }
0x4f: {  	v11 =	vld [tilespmem:s28+$0x460];
	v0 =	vadd.f32 v2, v0;
	v5 =	vunpack.i.u.bf16.f32 v8  }
0x50: {  	v8 =	vunpack.i.l.bf16.f32 v8;
	v1 =	vadd.f32 v1, v3;
	v3 =	vunpack.i.l.bf16.f32 v6  }
0x51: {  	v6 =	vunpack.i.u.bf16.f32 v6;
	v9 =	vunpack.i.u.bf16.f32 v4;
	v4 =	vunpack.i.l.bf16.f32 v4  }
0x52: {  	v2 =	vld [tilespmem:s28+$0x2470];
	(xrf2) =	vadd.scan.msk.f32 $0xffff, v0;
	v0 =	vunpack.i.l.bf16.f32 v10;
	v3 =	vmul.f32 v3, v4;
	v4 =	vmul.f32 v6, v9  }
0x53: {  	v0 =	vmul.f32 v8, v0;
	v6 =	vunpack.i.u.bf16.f32 v10;
	v8 =	vunpack.i.l.bf16.f32 v7;
	v9 =	vld [tilespmem:s28+$0x2490]  }
0x54: {  	(xrf2) =	vadd.scan.msk.f32 $0xffff, v1;
	v10 =	vunpack.i.u.bf16.f32 v11;
	v7 =	vunpack.i.u.bf16.f32 v7;
	v5 =	vmul.f32 v5, v6;
	v6 =	vld [tilespmem:s28+$0x470]  }
0x55: {  	v11 =	vunpack.i.l.bf16.f32 v11;
	v7 =	vmul.f32 v7, v10  }
0x56: {  	v3 =	vadd.f32 v3, v4;
	v0 =	vadd.f32 v0, v5;
	v5 =	vmul.f32 v8, v11;
	v8 =	vld [tilespmem:s28+$0x480];
	v4, _, _ =	vpop (xrf2)  }
0x57: {  	v12 =	vld [tilespmem:s28+$0x2480];
	v1 =	vunpack.i.u.bf16.f32 v2;
	v2 =	vunpack.i.l.bf16.f32 v2;
	v10, _, _ =	vpop (xrf2)  }
0x58: {  	v13 =	vld [tilespmem:s28+$0x490];
	(xrf2) =	vadd.scan.msk.f32 $0xffff, v3;
	v4 =	vbroadcast v4, $0xF;
	v3 =	vadd.f32 v5, v7;
	v10 =	vbroadcast v10, $0xF  }
0x59: {  	v5 =	vunpack.i.u.bf16.f32 v9;
	v11 =	vunpack.i.u.bf16.f32 v6;
	v6 =	vunpack.i.l.bf16.f32 v6  }
0x5a: {  	(xrf2) =	vadd.scan.msk.f32 $0xffff, v0;
	v1 =	vmul.f32 v1, v11;
	v2 =	vmul.f32 v2, v6;
	v0 =	vsel vm0, v10, v4  }
0x5b: {  	v6 =	vld [tilespmem:s28+$0x24B0];
	v4 =	vunpack.i.l.bf16.f32 v9;
	v7 =	vunpack.i.u.bf16.f32 v8;
	v8 =	vunpack.i.l.bf16.f32 v8  }
0x5c: {  	v9 =	vunpack.i.u.bf16.f32 v12;
	v10 =	vld [tilespmem:s28+$0x24A0];
	v2 =	vadd.f32 v2, v1;
	v1 =	vunpack.i.l.bf16.f32 v12  }
0x5d: {  	(xrf2) =	vadd.scan.msk.f32 $0xffff, v3;
	v11, _, _ =	vpop (xrf2);
	v7 =	vmul.f32 v9, v7;
	v9 =	vld [tilespmem:s28+$0x4A0];
	v1 =	vmul.f32 v1, v8;
	v8 =	vunpack.i.u.bf16.f32 v13  }
0x5e: {  	v12, _, _ =	vpop (xrf2);
	v11 =	vbroadcast v11, $0xF;
	v13 =	vunpack.i.l.bf16.f32 v13;
	v5 =	vmul.f32 v5, v8;
	v8 =	vld [tilespmem:s28+$0x4B0]  }
0x5f: {  	v4 =	vmul.f32 v4, v13;
	v14 =	vadd.f32 v1, v7;
	v1 =	vbroadcast v12, $0xF  }
0x60: {  	(xrf2) =	vadd.scan.msk.f32 $0xffff, v2;
	v0 =	vsel vm1, v0, v11;
	v13 =	vunpack.i.u.bf16.f32 v6;
	v7 =	vunpack.i.l.bf16.f32 v6  }
0x61: {  	v2 =	vld [tilespmem:s28+$0x24D0];
	v0 =	vsel vm2, v0, v1;
	v1 =	vadd.f32 v4, v5;
	v4 =	vunpack.i.l.bf16.f32 v10  }
0x62: {  	v6 =	vld [tilespmem:s28+$0x24C0];
	v3 =	vunpack.i.u.bf16.f32 v9;
	v9 =	vunpack.i.l.bf16.f32 v9;
	v10 =	vunpack.i.u.bf16.f32 v10  }
0x63: {  	v5 =	vld [tilespmem:s28+$0x4C0];
	v12, _, _ =	vpop (xrf2);
	(xrf2) =	vadd.scan.msk.f32 $0xffff, v14;
	v9 =	vmul.f32 v4, v9;
	v11 =	vmul.f32 v10, v3;
	v10 =	vunpack.i.u.bf16.f32 v8  }
0x64: {  	s30 =	simm.s32 $0x400;
	s31 =	simm.s32 $0x4400;
	s29 =	simm.s32 $0x4400;
	v3 =	vbroadcast v12, $0xF;
	v12 =	vunpack.i.l.bf16.f32 v8;
	v8 =	vld [tilespmem:s28+$0x4D0];
	v4, _, _ =	vpop (xrf2);
	v10 =	vmul.f32 v13, v10  }
.LBB2_2:
0x65: {  	p0 =	sne.s32 s30, $0x7C00  }
0x66: {  	v4 =	vbroadcast v4, $0xF;
	v9 =	vadd.f32 v9, v11;
	v7 =	vmul.f32 v7, v12;
	s31 =	sadd.s32 $0x10, s31;
	(xrf2) =	vadd.scan.msk.f32 $0xffff, v1;
	s0 =	smov.u32 s30;
	s30 =	sadd.s32 $0x400, s30  }
0x67: {  	v0 =	vsel vm3, v0, v3;
	v1 =	vunpack.i.u.bf16.f32 v6;
	v3 =	vunpack.i.l.bf16.f32 v6;
	v6, _, _ =	vpop (xrf2)  }
0x68: {  	v0 =	vsel vm4, v0, v4;
	v4 =	vadd.f32 v7, v10;
	v7 =	vunpack.i.u.bf16.f32 v5;
	v10 =	vld [tilespmem:s28+$0x24E0]  }
0x69: {  	v5 =	vunpack.i.l.bf16.f32 v5;
	v1 =	vmul.f32 v1, v7;
	v7 =	vunpack.i.l.bf16.f32 v2;
	v11 =	vld [tilespmem:s28+$0x4E0];
	(xrf2) =	vadd.scan.msk.f32 $0xffff, v9  }
0x6a: {  	v3 =	vmul.f32 v3, v5;
	v5 =	vunpack.i.u.bf16.f32 v8;
	v8 =	vunpack.i.l.bf16.f32 v8;
	v9, _, _ =	vpop (xrf2)  }
0x6b: {  	v6 =	vbroadcast v6, $0xF;
	v2 =	vunpack.i.u.bf16.f32 v2;
	v7 =	vmul.f32 v7, v8  }
0x6c: {  	v8 =	vbroadcast v9, $0xF;
	v1 =	vadd.f32 v3, v1;
	v2 =	vmul.f32 v2, v5;
	v3 =	vld [tilespmem:s28+$0x24F0];
	(xrf2) =	vadd.scan.msk.f32 $0xffff, v4  }
0x6d: {  	v0 =	vsel vm5, v0, v6;
	v4 =	vunpack.i.u.bf16.f32 v10;
	v5 =	vunpack.i.l.bf16.f32 v10;
	v6 =	vld [tilespmem:s28+$0x4F0];
	v9, _, _ =	vpop (xrf2)  }
0x6e: {  	v0 =	vsel vm6, v0, v8;
	v2 =	vadd.f32 v7, v2;
	v7 =	vunpack.i.u.bf16.f32 v11  }
0x6f: {  	v8 =	vunpack.i.l.bf16.f32 v11;
	v4 =	vmul.f32 v4, v7;
	(xrf2) =	vadd.scan.msk.f32 $0xffff, v1  }
0x70: {  	v1 =	vmul.f32 v5, v8;
	v5, _, _ =	vpop (xrf2)  }
0x71: {  	v7 =	vbroadcast v9, $0xF;
	v8 =	vunpack.i.u.bf16.f32 v3;
	v3 =	vunpack.i.l.bf16.f32 v3  }
0x72: {  	v5 =	vbroadcast v5, $0xF;
	v1 =	vadd.f32 v1, v4;
	v9 =	vunpack.i.l.bf16.f32 v6;
	(xrf2) =	vadd.scan.msk.f32 $0xffff, v2  }
0x73: {  	v0 =	vsel vm7, v0, v7;
	v2 =	vunpack.i.u.bf16.f32 v6;
	v6 =	vmul.f32 v3, v9;
	v4, _, _ =	vpop (xrf2)  }
0x74: {  	v0 =	vsel vm8, v0, v5;
	v2 =	vmul.f32 v8, v2  }
0x75: {  	(xrf2) =	vadd.scan.msk.f32 $0xffff, v1  }
0x76: {  	v1 =	vbroadcast v4, $0xF;
	v4 =	vadd.f32 v6, v2;
	v3, _, _ =	vpop (xrf2);
	_ =	sdelay $0x1  }
0x77: {  	v0 =	vsel vm9, v0, v1;
	v1 =	vbroadcast v3, $0xF;
	(xrf2) =	vadd.scan.msk.f32 $0xffff, v4  }
0x78: {  	v2, _, _ =	vpop (xrf2)  }
0x79: {  	v0 =	vsel vm10, v0, v1;
	_ =	sdelay $0x1  }
0x7a: {  	v1 =	vbroadcast v2, $0xF;
	v2, _, _ =	vpop (xrf2);
	_ =	sdelay $0x1  }
0x7b: {  	v0 =	vsel vm11, v0, v1;
	v1 =	vbroadcast v2, $0xF  }
0x7c: {  	v2, _, _ =	vpop (xrf2)  }
0x7d: {  	v0 =	vsel vm12, v0, v1;
	v2 =	vbroadcast v2, $0xF;
	_ =	sdelay $0x1  }
0x7e: {  	v0 =	vsel vm13, v0, v2;
	v1, _, _ =	vpop (xrf2)  }
0x7f: {  	v0 =	vsel vm14, v0, v1  }
0x80: {  	s28 =	sshra.s32 s0, $0x2;
	[tilespmem:s29+$0x0] =	vst v0;
	s29 =	smov.u32 s31  }
0x81: {  	v0 =	vld [tilespmem:s28+$0x2410]  }
0x82: {  	v1 =	vld [tilespmem:s28+$0x410]  }
0x83: {  	v2 =	vld [tilespmem:s28+$0x2400]  }
0x84: {  	v3 =	vld [tilespmem:s28+$0x400]  }
0x85: {  	v4 =	vld [tilespmem:s28+$0x2420]  }
0x86: {  	v5 =	vunpack.i.u.bf16.f32 v0;
	v0 =	vunpack.i.l.bf16.f32 v0;
	v6 =	vld [tilespmem:s28+$0x420]  }
0x87: {  	v7 =	vunpack.i.u.bf16.f32 v1;
	v1 =	vunpack.i.l.bf16.f32 v1;
	v8 =	vld [tilespmem:s28+$0x2430]  }
0x88: {  	v0 =	vmul.f32 v0, v1;
	v1 =	vmul.f32 v5, v7;
	v5 =	vld [tilespmem:s28+$0x430]  }
0x89: {  	v9 =	vunpack.i.u.bf16.f32 v2;
	v2 =	vunpack.i.l.bf16.f32 v2;
	v7 =	vunpack.i.u.bf16.f32 v3  }
0x8a: {  	v3 =	vunpack.i.l.bf16.f32 v3;
	v0 =	vadd.f32 v0, v1;
	v1 =	vunpack.i.l.bf16.f32 v4  }
0x8b: {  	v2 =	vmul.f32 v2, v3;
	v3 =	vmul.f32 v9, v7;
	v7 =	vunpack.i.l.bf16.f32 v6;
	v9 =	vld [tilespmem:s28+$0x2450]  }
0x8c: {  	v4 =	vunpack.i.u.bf16.f32 v4;
	v6 =	vunpack.i.u.bf16.f32 v6;
	v1 =	vmul.f32 v1, v7;
	v7 =	vld [tilespmem:s28+$0x2440];
	(xrf2) =	vadd.scan.msk.f32 $0xffff, v0  }
0x8d: {  	v0 =	vadd.f32 v2, v3;
	v2 =	vmul.f32 v4, v6;
	v3 =	vunpack.i.u.bf16.f32 v8;
	v4 =	vld [tilespmem:s28+$0x440]  }
0x8e: {  	v8 =	vunpack.i.l.bf16.f32 v8;
	v6 =	vunpack.i.u.bf16.f32 v5;
	v5 =	vunpack.i.l.bf16.f32 v5;
	v10 =	vld [tilespmem:s28+$0x450]  }
0x8f: {  	v1 =	vadd.f32 v1, v2;
	v2 =	vmul.f32 v8, v5;
	v3 =	vmul.f32 v3, v6;
	(xrf2) =	vadd.scan.msk.f32 $0xffff, v0;
	_ =	sdelay $0x1  }
0x90: {  	v0 =	vadd.f32 v2, v3;
	v3 =	vunpack.i.u.bf16.f32 v9;
	v2 =	vunpack.i.l.bf16.f32 v7;
	v5 =	vld [tilespmem:s28+$0x2470]  }
0x91: {  	v7 =	vunpack.i.u.bf16.f32 v7;
	v6 =	vunpack.i.u.bf16.f32 v4;
	v4 =	vunpack.i.l.bf16.f32 v4;
	v8 =	vld [tilespmem:s28+$0x2460];
	(xrf2) =	vadd.scan.msk.f32 $0xffff, v1  }
0x92: {  	v1 =	vmul.f32 v2, v4;
	v2 =	vmul.f32 v7, v6;
	v4 =	vunpack.i.u.bf16.f32 v10;
	v6 =	vld [tilespmem:s28+$0x460]  }
0x93: {  	v9 =	vunpack.i.l.bf16.f32 v9;
	v10 =	vunpack.i.l.bf16.f32 v10;
	v3 =	vmul.f32 v3, v4;
	v4 =	vld [tilespmem:s28+$0x470]  }
0x94: {  	v1 =	vadd.f32 v1, v2;
	v2 =	vmul.f32 v9, v10;
	(xrf2) =	vadd.scan.msk.f32 $0xffff, v0  }
0x95: {  	v0 =	vunpack.i.u.bf16.f32 v5;
	v5 =	vunpack.i.l.bf16.f32 v5;
	v7, _, _ =	vpop (xrf2)  }
0x96: {  	v7 =	vbroadcast v7, $0xF;
	v2 =	vadd.f32 v2, v3;
	v3 =	vunpack.i.l.bf16.f32 v8;
	v9 =	vld [tilespmem:s28+$0x2490]  }
0x97: {  	v8 =	vunpack.i.u.bf16.f32 v8;
	v12 =	vunpack.i.u.bf16.f32 v6;
	v6 =	vunpack.i.l.bf16.f32 v6;
	v11 =	vld [tilespmem:s28+$0x2480];
	(xrf2) =	vadd.scan.msk.f32 $0xffff, v1  }
0x98: {  	v1 =	vmul.f32 v3, v6;
	v3 =	vmul.f32 v8, v12;
	v6 =	vunpack.i.u.bf16.f32 v4;
	v8 =	vld [tilespmem:s28+$0x480];
	v10, _, _ =	vpop (xrf2)  }
0x99: {  	v4 =	vunpack.i.l.bf16.f32 v4;
	v10 =	vbroadcast v10, $0xF;
	v0 =	vmul.f32 v0, v6;
	v6 =	vld [tilespmem:s28+$0x490]  }
0x9a: {  	v1 =	vadd.f32 v1, v3;
	v3 =	vmul.f32 v5, v4;
	(xrf2) =	vadd.scan.msk.f32 $0xffff, v2  }
0x9b: {  	v2 =	vsel vm0, v10, v7;
	v4 =	vunpack.i.l.bf16.f32 v9;
	v5, _, _ =	vpop (xrf2)  }
0x9c: {  	v7 =	vunpack.i.u.bf16.f32 v9;
	v0 =	vadd.f32 v3, v0;
	v3 =	vunpack.i.l.bf16.f32 v11;
	v9 =	vld [tilespmem:s28+$0x24B0]  }
0x9d: {  	v13 =	vunpack.i.u.bf16.f32 v11;
	v10 =	vunpack.i.u.bf16.f32 v8;
	v8 =	vunpack.i.l.bf16.f32 v8;
	v12 =	vld [tilespmem:s28+$0x24A0];
	(xrf2) =	vadd.scan.msk.f32 $0xffff, v1  }
0x9e: {  	v1 =	vmul.f32 v3, v8;
	v3 =	vmul.f32 v13, v10;
	v8 =	vunpack.i.u.bf16.f32 v6;
	v10 =	vld [tilespmem:s28+$0x4A0];
	v11, _, _ =	vpop (xrf2)  }
0x9f: {  	v5 =	vbroadcast v5, $0xF;
	v6 =	vunpack.i.l.bf16.f32 v6;
	v8 =	vmul.f32 v7, v8;
	v13 =	vld [tilespmem:s28+$0x4B0]  }
0xa0: {  	v11 =	vbroadcast v11, $0xF;
	v3 =	vadd.f32 v1, v3;
	v1 =	vmul.f32 v4, v6;
	(xrf2) =	vadd.scan.msk.f32 $0xffff, v0  }
.Ltmp0:
0xa1: {  	v0 =	vsel vm1, v2, v5;
	v14 =	vunpack.i.u.bf16.f32 v9;
	v7 =	vunpack.i.l.bf16.f32 v9;
	v15, _, _ =	vpop (xrf2);
	(pc) =	sbr.rel @p0 .LBB2_2-.Ltmp0, $4  }
0xa2: {  	v0 =	vsel vm2, v0, v11;
	v1 =	vadd.f32 v1, v8;
	v2 =	vunpack.i.l.bf16.f32 v12;
	v6 =	vld [tilespmem:s28+$0x24C0]  }
0xa3: {  	v16 =	vunpack.i.u.bf16.f32 v10;
	v8 =	vunpack.i.l.bf16.f32 v10;
	v10 =	vunpack.i.u.bf16.f32 v12;
	v5 =	vld [tilespmem:s28+$0x4C0];
	(xrf2) =	vadd.scan.msk.f32 $0xffff, v3  }
0xa4: {  	v9 =	vmul.f32 v2, v8;
	v11 =	vmul.f32 v10, v16;
	v8 =	vunpack.i.u.bf16.f32 v13;
	v2 =	vld [tilespmem:s28+$0x24D0];
	v4, _, _ =	vpop (xrf2)  }
0xa5: {  	v3 =	vbroadcast v15, $0xF;
	v12 =	vunpack.i.l.bf16.f32 v13;
	v10 =	vmul.f32 v14, v8;
	v8 =	vld [tilespmem:s28+$0x4D0]  }
0xa6: {  	v7 =	vmul.f32 v7, v12;
	v29 =	vld [tilespmem:s28+$0x24E0]  }
0xa7: {  	v9 =	vadd.f32 v9, v11;
	v13 =	vld [tilespmem:s28+$0x4E0];
	v30 =	vunpack.i.u.bf16.f32 v6;
	v31 =	vunpack.i.l.bf16.f32 v6  }
0xa8: {  	v7 =	vadd.f32 v7, v10;
	v32 =	vunpack.i.u.bf16.f32 v5;
	v33 =	vunpack.i.l.bf16.f32 v5  }
0xa9: {  	v35 =	vld [tilespmem:s28+$0x24F0];
	v10 =	vmul.f32 v30, v32;
	v34 =	vunpack.i.l.bf16.f32 v2;
	v5 =	vmul.f32 v31, v33  }
0xaa: {  	v15 =	vld [tilespmem:s28+$0x4F0];
	v37 =	vunpack.i.u.bf16.f32 v2;
	v14 =	vunpack.i.u.bf16.f32 v8;
	v36 =	vunpack.i.l.bf16.f32 v8  }
0xab: {  	v8 =	vmul.f32 v34, v36;
	v2 =	vmul.f32 v37, v14;
	v38 =	vunpack.i.u.bf16.f32 v29  }
0xac: {  	(xrf2) =	vadd.scan.msk.f32 $0xffff, v1;
	v39 =	vunpack.i.l.bf16.f32 v29;
	v40 =	vunpack.i.u.bf16.f32 v13;
	v13 =	vunpack.i.l.bf16.f32 v13  }
0xad: {  	(xrf2) =	vadd.scan.msk.f32 $0xffff, v9;
	v5 =	vadd.f32 v5, v10;
	v41 =	vmul.f32 v38, v40;
	v1 =	vmul.f32 v39, v13  }
0xae: {  	(xrf2) =	vadd.scan.msk.f32 $0xffff, v7;
	v42 =	vunpack.i.u.bf16.f32 v35;
	v6 =	vunpack.i.l.bf16.f32 v35;
	v2 =	vadd.f32 v8, v2  }
0xaf: {  	v43 =	vunpack.i.l.bf16.f32 v15;
	v44 =	vunpack.i.u.bf16.f32 v15;
	(xrf2) =	vadd.scan.msk.f32 $0xffff, v5;
	v1 =	vadd.f32 v1, v41  }
0xb0: {  	v45 =	vmul.f32 v6, v43;
	v46 =	vmul.f32 v42, v44;
	(xrf2) =	vadd.scan.msk.f32 $0xffff, v2  }
0xb1: {  	(xrf2) =	vadd.scan.msk.f32 $0xffff, v1  }
0xb2: {  	v47 =	vadd.f32 v45, v46  }
0xb3: {  	v4 =	vbroadcast v4, $0xF;
	v48, _, _ =	vpop (xrf2)  }
0xb4: {  	v0 =	vsel vm3, v0, v3;
	v49, _, _ =	vpop (xrf2);
	v2 =	vbroadcast v48, $0xF;
	(xrf2) =	vadd.scan.msk.f32 $0xffff, v47  }
0xb5: {  	v0 =	vsel vm4, v0, v4;
	v3 =	vbroadcast v49, $0xF;
	v50, _, _ =	vpop (xrf2)  }
0xb6: {  	v51, _, _ =	vpop (xrf2);
	v1 =	vbroadcast v50, $0xF;
	v0 =	vsel vm5, v0, v2  }
0xb7: {  	v53 =	vbroadcast v51, $0xF;
	v52, _, _ =	vpop (xrf2);
	v0 =	vsel vm6, v0, v3  }
0xb8: {  	v0 =	vsel vm7, v0, v1;
	v55 =	vbroadcast v52, $0xF;
	v54, _, _ =	vpop (xrf2)  }
0xb9: {  	v0 =	vsel vm8, v0, v53;
	v56 =	vbroadcast v54, $0xF;
	v57, _, _ =	vpop (xrf2)  }
0xba: {  	v0 =	vsel vm9, v0, v55;
	v58 =	vbroadcast v57, $0xF;
	v59, _, _ =	vpop (xrf2)  }
0xbb: {  	v0 =	vsel vm10, v0, v56;
	v60 =	vbroadcast v59, $0xF;
	v61, _, _ =	vpop (xrf2)  }
0xbc: {  	v0 =	vsel vm11, v0, v58;
	v62 =	vbroadcast v61, $0xF  }
0xbd: {  	v0 =	vsel vm12, v0, v60  }
0xbe: {  	s26 =	sadd.s32 $0x1, s26;
	v63, _, _ =	vpop (xrf2);
	v0 =	vsel vm13, v0, v62  }
0xbf: {  	p0 =	sne.s32 s26, s7;
	v0 =	vsel vm14, v0, v63  }
.Ltmp1:
0xc0: {  	[tilespmem:s29+$0x0] =	vst v0;
	(pc) =	sbr.rel @p0 .LBB2_1-.Ltmp1, $4  }
0xc1: {  	[hbm4b:s6+s2] =	stream.linear.scatter [tilespmem:s25], [sflag:$0x2], $0x200, $0x38;
	[tilespmem:$0x4600] =	vst v63  }
0xc2: {  	_ =	swait.ge [sflag:s8], $0x200  }
0xc3: {  	[sflag:s8] =	ssyncset.done $0x0  }
0xc4: {  	[sflag:s8] =	ssyncadd.s32 $0xFFFFFE00  }
0xc5: {  	_ =	sfence.sel $0x180000  }
0xc6: {  	[bflag:$0x0] =	sbarrier.arrive $0xFFFF  }
0xc7: {  	_ =	strace $0x9000004D  }
0xc8: {  	[bflag:$0x2] =	sbarrier.arrive $0xFFFF  }
0xc9: {  	p0 =	sne.s32 s1, $0x0;
	s0 =	rddreg [dreg:$0x4]  }
0xca: {  	s0 =	sadd.s32 @!p0 $0x100000, s0  }
0xcb: {  	[sflag:s0] =	ssyncadd.tile.s32 @!p0 $0x1;
	_ =	shalt  }
.Lfunc_end2:
_tile_overlayer_lowered:
.L_overlay_start_2:
0xcc: {  	(tag) =	ssettag $0x2  }
0xcd: {  	s0 =	rddreg [dreg:$0x0];
	s2 =	stileid.u32  }
0xce: {  	s1 =	rddreg [dreg:$0x1];
	p0 =	sne.s32 s2, $0x0  }
0xcf: {  	s3 =	rddreg [dreg:$0x2];
	[bflag:$0x3] =	sbarrier.arrive $0xFFFF;
	s2 =	simm.s32 @!p0 $0x1C02  }
0xd0: {  	[timem:s3], [sflag:s2] =	dma.local @!p0 [hbm:s0], s1  }
0xd1: {  	s0 =	simm.s32 @!p0 $0x2  }
0xd2: {  	_ =	swait.ge @!p0 [sflag:s0], s1  }
0xd3: {  	s1 =	ssub.s32 @!p0 $0x0, s1;
	[sflag:s0] =	ssyncset.done @!p0 $0x0  }
0xd4: {  	[sflag:s0] =	ssyncadd.s32 @!p0 s1  }
0xd5: {  	[bflag:$0x3] =	sbarrier.arrive $0xFFFF  }
0xd6: {  	_ =	shalt  }

// kernel: sparse-core-data-format-call.1.cloned.1.call-start
scs
called_computation.1_lowered:
.L_overlay_start_0:
0x0: {  	s1 =	sld [smem:$0x3FD9]  }
0x1: {  	s2 =	sld [smem:$0x3FFE];
	_ =	sdelay $0x1  }
0x2: {  	s3 =	srdreg.scid  }
0x3: {  	s0 =	sand.u32 $0x1, s3  }
0x4: {  	s17 =	sshll.u32 s0, $0xA;
	s1 =	sadd.s32 s2, s1  }
0x5: {  	s1 =	sadd.s32 s1, s17  }
0x6: {  	[smem:$0x3FC5] =	sst s1  }
0x7: {  	_ = 	snop  }
0x8: {  	(tm) =	ssettm $0x1  }
0x9: {  	s18 =	sld [smem:$0x3FFB];
	_ =	sdelay $0x3  }
0xa: {  	_ =	strace s18  }
0xb: {  	s1 =	sld [smem:$0x3FFC];
	_ =	sdelay $0x3  }
0xc: {  	_ =	strace s1  }
0xd: {  	s1 =	sld [smem:$0x3FFD];
	_ =	sdelay $0x3  }
0xe: {  	_ =	strace s1  }
0xf: {  	_ =	strace $0x8FFFFFFF  }
0x10: {  	s19 =	sld [smem:$0x3FDB];
	_ =	sdelay $0x1  }
0x11: {  	s20 =	simm.s32 $_scs_section_size  }
0x12: {  	s4 =	simm.s32 $_size__tile_overlayer_lowered;
	s5 =	simm.s32 $_tile_overlayer_lowered  }
0x13: {  	s23 =	simm.s32 $0x1BFF;
	s22 =	sshll.u32 s5, $0x1;
	s1 =	sadd.s32 s20, s19  }
0x14: {  	s6 =	simm.s32 $0x0;
	s21 =	sshll.u32 s4, $0x1;
	s4 =	sadd.s32 s22, s1  }
0x15: {  	[timem:s6], [sflag:s23] =	dma.local [hbm:s4], s21  }
0x16: {  	_ =	swait.ge [sflag:s23], s21  }
0x17: {  	s2 =	ssub.s32 $0x0, s21;
	[sflag:s23] =	ssyncset.done $0x0  }
0x18: {  	[sflag:s23] =	ssyncadd.s32 s2;
	_ =	sdelay $0x1  }
0x19: {  	s24 =	simm.s32 $0x1B8B  }
0x1a: {  	_ =	swait.ge [sflag:s24], $0x1  }
0x1b: {  	[sflag:s24] =	ssyncset.done $0x0  }
0x1c: {  	s26 =	simm.s32 $0x1B8E;
	s25 =	sld [smem:$0x3FFE];
	[sflag:s24] =	ssyncadd.s32 $0xFFFFFFFF  }
0x1d: {  	s27 =	simm.s32 $execute0_lowered;
	[smem:$0x3FD2] =	sst s26  }
0x1e: {  	s4 =	sshll.u32 s27, $0x1;
	_ =	strace $0x80000046;
	[dreg:$0x1] =	wrdreg $0xFFFFFFFF  }
0x1f: {  	s28 =	simm.s32 $_size_execute0_lowered;
	s1 =	sadd.s32 s1, s4;
	[dreg:$0x0] =	wrdreg $0x0  }
0x20: {  	s4 =	sshll.u32 s28, $0x1;
	[dreg:$0x2] =	wrdreg s1  }
0x21: {  	[dreg:$0x3] =	wrdreg s4  }
0x22: {  	[dreg:$0x4] =	wrdreg $0xC0  }
0x23: {  	_ =	task [dreg:s6], $0x5FFFF  }
0x24: {  	[dreg:$0x1] =	wrdreg $0xFFFFFFFF  }
0x25: {  	[dreg:$0x0] =	wrdreg $0x60  }
0x26: {  	[dreg:$0x2] =	wrdreg s25  }
0x27: {  	[dreg:$0x3] =	wrdreg $0x9  }
0x28: {  	_ =	task.clear_ibuf [dreg:s6], $0x4FFFF;
	_ =	strace $0x90000046  }
0x29: {  	s29 =	simm.s32 $0x9;
	_ =	strace $0x80000048  }
0x2a: {  	_ =	swait.ge [sflag:s29], $0x1  }
0x2b: {  	[sflag:s29] =	ssyncadd.s32 $0xFFFFFFFF  }
0x2c: {  	_ =	strace $0x90000048  }
0x2d: {  	_ =	sfence  }
0x2e: {  	s30 =	sld [smem:$0x0];
	_ =	sdelay $0x2  }
0x2f: {  	s31 =	sshll.u32 s3, $0xD;
	s3 =	sshrl.u32 s3, $0x2  }
0x30: {  	s2 =	sand.u32 $0x4000, s31;
	s1 =	sadd.s32 s3, s30  }
0x31: {  	s0 =	sor.u32 s2, s0;
	s1 =	sshll.u32 s1, $0x11  }
0x32: {  	s0 =	sor.u32 s1, s0  }
0x33: {  	s0 =	sadd.s32 $0x8F2B, s0  }
0x34: {  	[sflag:s0] =	ssyncadd.remote.s32 $0x1  }
0x35: {  	_ =	sfence.sel $0xFFFF  }
0x36: {  	[dreg:$0x0] =	wrdreg $0xFFFFFFFF;
	(pc) =	sbr.abs _section_cstart, $3  }
0x37: {  	[dreg:$0x1] =	wrdreg $0xFFFFFFFF  }
0x38: {  	_ =	task.clear_ibuf [dreg:s6], $0x2FFFF;
	_ =	strace $0x9FFFFFFF  }
0x39: {  	(tm) =	ssettm $0x7FFFFFFF  }
tec
execute0_lowered:
.L_overlay_start_1:
0x0: {  	(tag) =	ssettag $0x1  }
0x1: {  	s0 =	srdreg.scid  }
0x2: {  	s5 =	rddreg [dreg:$0x0];
	s1 =	stileid.u32;
	s4 =	simm.s32 $0x1  }
0x3: {  	s6 =	simm.s32 $0x2;
	s15 =	simm.s32 $0x0;
	p0 =	por $0x0, $0x0  }
0x4: {  	s8 =	simm.s32 $0x80;
	s14 =	simm.s32 $0x0;
	s2 =	sshll.u32 s0, $0x4  }
0x5: {  	s9 =	simm.s32 $0x0;
	s10 =	simm.s32 $0x0;
	s2 =	sand.u32 $0x10, s2  }
.Ltmp0:
0x6: {  	s12 =	simm.s32 $0x0;
	s3 =	sor.u32 s1, s2;
	(pc) =	sbr.rel .LBB1_1-.Ltmp0, $4  }
0x7: {  	s0 =	rddreg [dreg:$0x1];
	_ =	strace $0x80000047;
	s3 =	sshll.u32 s3, $0x7  }
0x8: {  	s13 =	simm.s32 $0x0;
	[sflag:s4] =	ssyncpa.u1 $0x0;
	s7 =	ssub.s32 $0xF4200, s3  }
0x9: {  	s2 =	sadd.s32 $0xC00, s5;
	[sflag:s6] =	ssyncpa.u1 $0x0;
	s6 =	sshrl.u32 s7, $0xC  }
0xa: {  	s5 =	sadd.s32 $0x1E9200, s5;
	s11 =	smov.u32 s3;
	s7 =	sadd.s32 $0x2, s6  }
.LBB1_5:
0xb: {  	p1 =	slt.u32 s13, $0x2  }
0xc: {  	s17 =	smov.u32 s15;
	p2 =	sgt.s32 @!p1 s15, $0xF41C0;
	s16 =	sshra.s32 @!p1 s15, $0x1F  }
0xd: {  	p3 =	sgt.s32 @!p1 s14, $0x60;
	s18 =	sshra.s32 @!p1 s14, $0x1F;
	p2 =	por !p2, p1  }
0xe: {  	s15 =	sand.u32 @!p1 s16, s15;
	p3 =	por !p3, p1;
	s16 =	smov.u32 s14  }
0xf: {  	s14 =	sand.u32 @!p1 s18, s14;
	s17 =	simm.s32 @p2 $0xF41C0;
	s16 =	simm.s32 @p3 $0x60  }
0x10: {  	s15 =	ssub.s32 @!p1 s17, s15;
	s14 =	ssub.s32 @!p1 s16, s14  }
0x11: {  	s18 =	smov.u32 s12;
	s16 =	sadd.s32 @!p1 $0xFFF0BE40, s15;
	s17 =	sadd.s32 @!p1 $0xFFFFFFA0, s14  }
0x12: {  	s15 =	ssub.s32 @!p1 $0xF4240, s15;
	p2 =	sgt.s32 @!p1 s16, $0x7F;
	p3 =	sgt.s32 @!p1 s17, $0x1F  }
0x13: {  	s14 =	ssub.s32 @!p1 $0x80, s14;
	p2 =	por !p2, p1;
	p3 =	por !p3, p1  }
0x14: {  	s16 =	sadd.s32 $0x1000, s11;
	s15 =	simm.s32 @!p2 $0x0;
	s14 =	simm.s32 @!p3 $0x0  }
0x15: {  	p2 =	sgt.s32 s16, $0xF423F;
	s14 =	smul.u32 @!p1 s14, s15;
	s15 =	sadd.s32 $0x20, s12  }
0x16: {  	s18 =	smov.u32 @p2 s15  }
0x17: {  	s16 =	smov.u32 @p2 s3;
	p2 =	sgt.s32 s18, $0x1F  }
0x18: {  	p0 =	por !p0, !p0;
	s18 =	simm.s32 @p2 $0x0;
	p2 =	sne.s32 s13, s7  }
.Ltmp1:
0x19: {  	s17 =	simm.s32 @!p1 $0x2;
	s14 =	sshrl.u32 @!p1 s14, $0x1;
	(pc) =	sbr.rel @!p2 .LBB1_6-.Ltmp1, $4  }
0x1a: {  	s15 =	smov.u32 s9;
	s9 =	smov.u32 s11;
	s14 =	sand.u32 @!p1 $0x3FFFFFFF, s14  }
0x1b: {  	s11 =	smov.u32 s16;
	s13 =	sadd.s32 $0x1, s13;
	_ =	swait.ge @!p1 [sflag:s17], s14  }
0x1c: {  	s19 =	ssub.s32 @!p1 $0x0, s14;
	s14 =	smov.u32 s10;
	[sflag:s17] =	ssyncset.done @!p1 $0x0  }
0x1d: {  	s10 =	smov.u32 s12;
	s12 =	smov.u32 s18;
	[sflag:s17] =	ssyncadd.s32 @!p1 s19  }
.LBB1_1:
0x1e: {  	p1 =	sgt.u32 s13, s6  }
0x1f: {  	s16 =	sshrl.u32 @!p1 s12, $0x3  }
0x20: {  	s17 =	sshll.u32 @!p1 s11, $0x3;
	s16 =	smul.u32 @!p1 $0x7A1400, s16  }
0x21: {  	s18 =	sshll.u32 @!p1 s12, $0x7;
	s17 =	sand.u32 @!p1 $0xFFFFFC00, s17  }
0x22: {  	s16 =	sadd.s32 @!p1 s16, s17;
	s17 =	sand.u32 @!p1 $0x300, s18;
	s18 =	sshll.u32 @!p1 s11, $0x1  }
0x23: {  	s16 =	sor.u32 @!p1 s17, s16;
	s17 =	sand.u32 @!p1 $0xFE, s18  }
0x24: {  	s18 =	sand.u32 @!p1 $0x1, s12;
	s16 =	sor.u32 @!p1 s17, s16  }
0x25: {  	s17 =	sor.u32 @!p1 s18, s16  }
0x26: {  	s18 =	smulhi.u32 @!p1 $0x218D6287, s17;
	_ =	sdelay $0x1  }
0x27: {  	s16 =	smulhi.u32 @!p1 $0x218D6287, s16;
	s18 =	sshrl.u32 @!p1 s18, $0x11  }
0x28: {  	s18 =	smul.u32 @!p1 $0xF4280, s18  }
0x29: {  	s16 =	sshrl.u32 @!p1 s16, $0x11  }
0x2a: {  	s16 =	sand.u32 @!p1 $0x1F, s16;
	s17 =	ssub.s32 @!p1 s17, s18  }
0x2b: {  	s16 =	smul.u32 @!p1 $0xF428, s16;
	s18 =	sshrl.u32 @!p1 s17, $0x4  }
0x2c: {  	s19 =	sxor.u32 @!p1 $0xFFFFFFFF, s13;
	s17 =	sshll.u32 @!p1 s17, $0x11;
	s18 =	sadd.s32 @!p1 s2, s18  }
0x2d: {  	s17 =	sand.u32 @!p1 $0x1C0000, s17;
	s16 =	sadd.s32 @!p1 s16, s18;
	s18 =	sshll.u32 @!p1 s19, $0xB  }
0x2e: {  	s17 =	sor.u32 @!p1 $0x200, s17;
	s19 =	simm.s32 @!p1 $0x3D0A00;
	s18 =	sand.u32 @!p1 $0x800, s18  }
0x2f: {  	[tilespmem:s18], [sflag:$0x1] =	stream.strided.gather @!p1 [hbm4b:s16+s17], $0x800, s19, s17, $0x38;
	[tilespmem:$0x2080] =	vst v63  }
0x30: {  	p1 =	seq.s32 s13, $0x0  }
0x31: {  	p2 =	sge.u32 @!p1 s13, s7  }
0x32: {  	p1 =	por p1, p2  }
.Ltmp2:
0x33: {  	_ = 	snop;
	(pc) =	sbr.rel @p1 .LBB1_5-.Ltmp2, $1  }
0x34: {  	_ =	sdelay $0x3  }
0x35: {  	s16 =	simm.s32 $0x1  }
0x36: {  	_ =	swait.ge [sflag:s4], $0x800;
	s16 =	simm.s32 @!p0 $0x0  }
0x37: {  	[sflag:s4] =	ssyncset.done $0x0;
	s16 =	sshll.u32 s16, $0xB  }
0x38: {  	[sflag:s4] =	ssyncadd.s32 $0xFFFFF800;
	s16 =	sor.u32 $0x40, s16  }
0x39: {  	v0 =	vld [tilespmem:s16+$0x20]  }
0x3a: {  	v1 =	vld [tilespmem:s16+$0x30]  }
0x3b: {  	v2 =	vld [tilespmem:s16+$0xFFFFFFD0]  }
0x3c: {  	v5 =	vld [tilespmem:s16+$0x0]  }
0x3d: {  	v6 =	vld [tilespmem:s16+$0x10]  }
0x3e: {  	s17 =	sand.u32 $0x1, s13;
	v3 =	vld [tilespmem:s16+$0xFFFFFFE0]  }
0x3f: {  	s17 =	smul.u32 $0x2100, s17;
	v4 =	vld [tilespmem:s16+$0xFFFFFFF0]  }
0x40: {  	s18 =	simm.s32 $0x0;
	v1 =	vperm.xlane.i2c.b16 v1  }
0x41: {  	s19 =	sand.u32 $0x1C, s18;
	s17 =	sshrl.u32 s17, $0x2;
	v8 =	vld [tilespmem:s16+$0xFFFFFFC0];
	s20 =	sadd.s32 $0x80, s16;
	v7 =	vperm.xlane.i2c.b16 v0;
	v0 =	vperm.xlane.i2c.b16 v2  }
0x42: {  	s30 =	sand.u32 $0x20, s18;
	s31 =	sshrl.u32 s19, $0x1;
	s16 =	sor.u32 $0x1000, s17;
	v11 =	vld [tilespmem:s20+$0x30];
	v10 =	vperm.xlane.i2c.b16 v5;
	v13 =	vperm.xlane.i2c.b16 v6  }
0x43: {  	s17 =	sshrl.u32 s30, $0x1;
	s18 =	sadd.s32 s31, s16;
	v2 =	vld [tilespmem:s20+$0x20];
	v3 =	vperm.xlane.i2c.b16 v3;
	v9 =	vcombine.low v7, v1  }
0x44: {  	v12 =	vld [tilespmem:s20+$0xFFFFFFD0];
	s17 =	sadd.s32 s17, s18;
	v4 =	vperm.xlane.i2c.b16 v4;
	v14 =	vcombine.low v10, v13  }
0x45: {  	v1 =	vcombine.high v7, v1;
	v7 =	vld [tilespmem:s20+$0xFFFFFFE0];
	[tilespmem:s17+$0x630 ss:$0x21] =	vst.msk $0xffff, v9  }
0x46: {  	v6 =	vld [tilespmem:s20+$0xFFFFFFF0];
	v5 =	vperm.xlane.i2c.b16 v8;
	v9 =	vcombine.low v3, v4;
	[tilespmem:s17+$0x420 ss:$0x21] =	vst.msk $0xffff, v14  }
0x47: {  	s18 =	simm.s32 $0x4;
	v8 =	vperm.xlane.i2c.b16 v11;
	[tilespmem:s17+$0x631 ss:$0x21] =	vst.msk $0xffff, v1;
	v1 =	vcombine.high v3, v4;
	v4 =	vld [tilespmem:s20+$0x0]  }
0x48: {  	s19 =	simm.s32 $0x2;
	s22 =	sand.u32 $0x1C, s18;
	v10 =	vcombine.high v10, v13;
	v3 =	vld [tilespmem:s20+$0x10];
	[tilespmem:s17+$0x210 ss:$0x21] =	vst.msk $0xffff, v9;
	v9 =	vperm.xlane.i2c.b16 v2  }
0x49: {  	s21 =	sand.u32 $0x20, s18;
	s22 =	sshrl.u32 s22, $0x1;
	v11 =	vcombine.low v5, v0;
	v2 =	vld [tilespmem:s20+$0xFFFFFFC0];
	s20 =	sadd.s32 $0x80, s20;
	[tilespmem:s17+$0x211 ss:$0x21] =	vst.msk $0xffff, v1;
	v1 =	vperm.xlane.i2c.b16 v12  }
.LBB1_3:
0x4a: {  	v12 =	vld [tilespmem:s20+$0x20];
	s22 =	sadd.s32 s22, s16;
	s21 =	sshrl.u32 s21, $0x1;
	v13 =	vperm.xlane.i2c.b16 v7;
	v7 =	vcombine.low v9, v8;
	[tilespmem:s17+$0x421 ss:$0x21] =	vst.msk $0xffff, v10  }
0x4b: {  	s19 =	sadd.s32 $0x2, s19;
	v14 =	vld [tilespmem:s20+$0x30];
	s21 =	sadd.s32 s21, s22;
	v10 =	vperm.xlane.i2c.b16 v6;
	v6 =	vcombine.high v9, v8;
	[tilespmem:s17+$0x0 ss:$0x21] =	vst.msk $0xffff, v11  }
0x4c: {  	p1 =	slt.u32 s19, $0x1E;
	v11 =	vld [tilespmem:s20+$0xFFFFFFD0];
	v8 =	vperm.xlane.i2c.b16 v4;
	[tilespmem:s21+$0x630 ss:$0x21] =	vst.msk $0xffff, v7;
	v4 =	vcombine.high v5, v0;
	v0 =	vmov v1  }
.Ltmp3:
0x4d: {  	v7 =	vld [tilespmem:s20+$0xFFFFFFE0];
	v1 =	vcombine.low v13, v10;
	v3 =	vperm.xlane.i2c.b16 v3;
	[tilespmem:s21+$0x631 ss:$0x21] =	vst.msk $0xffff, v6;
	(pc) =	sbr.rel @p1 .LBB1_3-.Ltmp3, $4  }
0x4e: {  	v6 =	vld [tilespmem:s20+$0xFFFFFFF0];
	v5 =	vperm.xlane.i2c.b16 v2;
	v2 =	vcombine.high v13, v10;
	[tilespmem:s17+$0x1 ss:$0x21] =	vst.msk $0xffff, v4;
	s17 =	smov.u32 s21  }
0x4f: {  	s18 =	sadd.s32 $0x4, s18;
	v4 =	vld [tilespmem:s20+$0x0];
	[tilespmem:s17+$0x210 ss:$0x21] =	vst.msk $0xffff, v1;
	v13 =	vcombine.low v8, v3;
	v10 =	vcombine.high v8, v3  }
0x50: {  	s22 =	sand.u32 $0x1C, s18;
	v9 =	vperm.xlane.i2c.b16 v12;
	v3 =	vld [tilespmem:s20+$0x10];
	v8 =	vperm.xlane.i2c.b16 v14;
	[tilespmem:s17+$0x211 ss:$0x21] =	vst.msk $0xffff, v2  }
0x51: {  	s22 =	sshrl.u32 s22, $0x1;
	s21 =	sand.u32 $0x20, s18;
	v2 =	vld [tilespmem:s20+$0xFFFFFFC0];
	v1 =	vperm.xlane.i2c.b16 v11;
	s20 =	sadd.s32 $0x80, s20;
	v11 =	vcombine.low v5, v0;
	[tilespmem:s17+$0x420 ss:$0x21] =	vst.msk $0xffff, v13  }
0x52: {  	s18 =	sadd.s32 s22, s16;
	s19 =	sshll.u32 s9, $0x7;
	s20 =	sshll.u32 s10, $0x3  }
0x53: {  	s21 =	sshrl.u32 s21, $0x1;
	s24 =	sshll.u32 s10, $0x1;
	p1 =	sgt.s32 s9, $0xF41C0  }
0x54: {  	s22 =	smov.u32 s9;
	s26 =	sshra.s32 s9, $0x1F;
	s23 =	sand.u32 $0xFFFFFC00, s19  }
0x55: {  	s20 =	sand.u32 $0xFFFFFC00, s20;
	s19 =	sand.u32 $0x300, s19;
	s25 =	sand.u32 $0x80, s24  }
0x56: {  	s18 =	sadd.s32 s21, s18;
	s22 =	simm.s32 @!p1 $0xF41C0;
	p1 =	sgt.s32 s10, $0x60  }
0x57: {  	s21 =	smov.u32 s10;
	s20 =	sadd.s32 s20, s23;
	s23 =	sshra.s32 s10, $0x1F  }
0x58: {  	s21 =	simm.s32 @!p1 $0x60;
	s19 =	sor.u32 s19, s20;
	s20 =	sand.u32 s26, s9  }
0x59: {  	v7 =	vperm.xlane.i2c.b16 v7;
	[tilespmem:s17+$0x421 ss:$0x21] =	vst.msk $0xffff, v10;
	v0 =	vcombine.high v5, v0;
	s23 =	sand.u32 s23, s10;
	s19 =	sor.u32 s25, s19;
	s20 =	ssub.s32 s22, s20  }
0x5a: {  	v57 =	vcombine.low v9, v8;
	v6 =	vperm.xlane.i2c.b16 v6;
	[tilespmem:s17+$0x0 ss:$0x21] =	vst.msk $0xffff, v11;
	s21 =	ssub.s32 s21, s23;
	s19 =	sshrl.u32 s19, $0x7;
	s22 =	sadd.s32 $0xFFF0BE40, s20  }
0x5b: {  	v58 =	vcombine.high v9, v8;
	v4 =	vperm.xlane.i2c.b16 v4;
	[tilespmem:s17+$0x1 ss:$0x21] =	vst.msk $0xffff, v0;
	s23 =	sadd.s32 $0xFFFFFFA0, s21;
	s20 =	ssub.s32 $0xF4240, s20;
	s21 =	ssub.s32 $0x80, s21  }
0x5c: {  	[tilespmem:s18+$0x630 ss:$0x21] =	vst.msk $0xffff, v57;
	v59 =	vcombine.low v7, v6;
	v3 =	vperm.xlane.i2c.b16 v3;
	s27 =	smulhi.u32 $0x218DEF5, s19;
	p1 =	sgt.s32 s22, $0x7F;
	p2 =	sgt.s32 s23, $0x1F  }
0x5d: {  	[tilespmem:s18+$0x631 ss:$0x21] =	vst.msk $0xffff, v58;
	v60 =	vcombine.high v7, v6;
	s20 =	simm.s32 @p1 $0x0;
	s21 =	simm.s32 @p2 $0x0  }
0x5e: {  	v2 =	vperm.xlane.i2c.b16 v2;
	[tilespmem:s18+$0x210 ss:$0x21] =	vst.msk $0xffff, v59;
	v61 =	vcombine.low v4, v3;
	s17 =	sshrl.u32 s27, $0xD;
	s20 =	smul.u32 s21, s20  }
0x5f: {  	v3 =	vcombine.high v4, v3;
	[tilespmem:s18+$0x211 ss:$0x21] =	vst.msk $0xffff, v60;
	s17 =	smul.u32 $0xF4240, s17  }
.Ltmp4:
0x60: {  	s28 =	sshrl.u32 s10, $0x3;
	s29 =	sand.u32 $0x7, s10;
	v62 =	vcombine.low v2, v1;
	[tilespmem:s18+$0x420 ss:$0x21] =	vst.msk $0xffff, v61;
	(pc) =	sbr.rel .LBB1_5-.Ltmp4, $4  }
0x61: {  	v63 =	vcombine.high v2, v1;
	[tilespmem:s18+$0x421 ss:$0x21] =	vst.msk $0xffff, v3;
	s21 =	sshll.u32 s29, $0x12;
	s17 =	ssub.s32 s19, s17;
	s19 =	sand.u32 $0x7, s28  }
0x62: {  	[tilespmem:s18+$0x0 ss:$0x21] =	vst.msk $0xffff, v62;
	s20 =	sshrl.u32 s20, $0x1;
	s17 =	sshll.u32 s17, $0x3;
	s19 =	sadd.s32 s5, s19  }
0x63: {  	[tilespmem:s18+$0x1 ss:$0x21] =	vst.msk $0xffff, v63;
	s31 =	sor.u32 $0x20, s21;
	s30 =	sand.u32 $0x3FFFFFFF, s20;
	s17 =	sadd.s32 s17, s19  }
0x64: {  	[hbm4b:s17+s31] =	stream.strided.scatter [tilespmem:s16], [sflag:$0x2], s30, s8, s31, $0x10;
	[tilespmem:$0x2080] =	vst v63  }
.LBB1_6:
0x65: {  	_ =	sfence.sel $0x180000  }
0x66: {  	s2 =	simm.s32 $0x1;
	[bflag:$0x0] =	sbarrier.arrive $0xFFFF  }
0x67: {  	s31 =	simm.s32 $0x2;
	[sflag:s2] =	ssyncpa.u1 $0x1  }
0x68: {  	[sflag:s31] =	ssyncpa.u1 $0x1  }
0x69: {  	p0 =	sne.s32 s1, $0x0;
	_ =	strace $0x90000047  }
0x6a: {  	s0 =	sadd.s32 @!p0 $0x100000, s0;
	[bflag:$0x2] =	sbarrier.arrive $0xFFFF  }
0x6b: {  	[sflag:s0] =	ssyncadd.tile.s32 @!p0 $0x1;
	_ =	shalt  }
.Lfunc_end1:
_tile_overlayer_lowered:
.L_overlay_start_2:
0x6c: {  	(tag) =	ssettag $0x2  }
0x6d: {  	s0 =	rddreg [dreg:$0x0];
	s2 =	stileid.u32  }
0x6e: {  	s1 =	rddreg [dreg:$0x1];
	p0 =	sne.s32 s2, $0x0  }
0x6f: {  	s3 =	rddreg [dreg:$0x2];
	[bflag:$0x3] =	sbarrier.arrive $0xFFFF;
	s2 =	simm.s32 @!p0 $0x1C01  }
0x70: {  	[timem:s3], [sflag:s2] =	dma.local @!p0 [hbm:s0], s1  }
0x71: {  	s0 =	simm.s32 @!p0 $0x1  }
0x72: {  	_ =	swait.ge @!p0 [sflag:s0], s1  }
0x73: {  	s1 =	ssub.s32 @!p0 $0x0, s1;
	[sflag:s0] =	ssyncset.done @!p0 $0x0  }
0x74: {  	[sflag:s0] =	ssyncadd.s32 @!p0 s1  }
0x75: {  	[bflag:$0x3] =	sbarrier.arrive $0xFFFF  }
0x76: {  	_ =	shalt  }

// kernel: sparse-core-data-format-call.cloned.1.call-start
scs
called_computation_lowered:
.L_overlay_start_0:
0x0: {  	s1 =	sld [smem:$0x3FD9]  }
0x1: {  	s2 =	sld [smem:$0x3FFE];
	_ =	sdelay $0x1  }
0x2: {  	s3 =	srdreg.scid  }
0x3: {  	s0 =	sand.u32 $0x1, s3  }
0x4: {  	s17 =	sshll.u32 s0, $0xA;
	s1 =	sadd.s32 s2, s1  }
0x5: {  	s1 =	sadd.s32 s1, s17  }
0x6: {  	[smem:$0x3FC5] =	sst s1  }
0x7: {  	_ = 	snop  }
0x8: {  	(tm) =	ssettm $0x1  }
0x9: {  	s18 =	sld [smem:$0x3FFB];
	_ =	sdelay $0x3  }
0xa: {  	_ =	strace s18  }
0xb: {  	s1 =	sld [smem:$0x3FFC];
	_ =	sdelay $0x3  }
0xc: {  	_ =	strace s1  }
0xd: {  	s1 =	sld [smem:$0x3FFD];
	_ =	sdelay $0x3  }
0xe: {  	_ =	strace s1  }
0xf: {  	_ =	strace $0x8FFFFFFF  }
0x10: {  	s19 =	sld [smem:$0x3FDB];
	_ =	sdelay $0x1  }
0x11: {  	s20 =	simm.s32 $_scs_section_size  }
0x12: {  	s4 =	simm.s32 $_size__tile_overlayer_lowered;
	s5 =	simm.s32 $_tile_overlayer_lowered  }
0x13: {  	s23 =	simm.s32 $0x1BFF;
	s22 =	sshll.u32 s5, $0x1;
	s1 =	sadd.s32 s20, s19  }
0x14: {  	s6 =	simm.s32 $0x0;
	s21 =	sshll.u32 s4, $0x1;
	s4 =	sadd.s32 s22, s1  }
0x15: {  	[timem:s6], [sflag:s23] =	dma.local [hbm:s4], s21  }
0x16: {  	_ =	swait.ge [sflag:s23], s21  }
0x17: {  	s2 =	ssub.s32 $0x0, s21;
	[sflag:s23] =	ssyncset.done $0x0  }
0x18: {  	[sflag:s23] =	ssyncadd.s32 s2;
	_ =	sdelay $0x1  }
0x19: {  	s24 =	simm.s32 $0x1B8B  }
0x1a: {  	_ =	swait.ge [sflag:s24], $0x1  }
0x1b: {  	[sflag:s24] =	ssyncset.done $0x0  }
0x1c: {  	s26 =	simm.s32 $0x1B8E;
	s25 =	sld [smem:$0x3FFE];
	[sflag:s24] =	ssyncadd.s32 $0xFFFFFFFF  }
0x1d: {  	s27 =	simm.s32 $execute0_lowered;
	[smem:$0x3FD2] =	sst s26  }
0x1e: {  	s4 =	sshll.u32 s27, $0x1;
	_ =	strace $0x80000049;
	[dreg:$0x1] =	wrdreg $0xFFFFFFFF  }
0x1f: {  	s28 =	simm.s32 $_size_execute0_lowered;
	s1 =	sadd.s32 s1, s4;
	[dreg:$0x0] =	wrdreg $0x0  }
0x20: {  	s4 =	sshll.u32 s28, $0x1;
	[dreg:$0x2] =	wrdreg s1  }
0x21: {  	[dreg:$0x3] =	wrdreg s4  }
0x22: {  	[dreg:$0x4] =	wrdreg $0xC0  }
0x23: {  	_ =	task [dreg:s6], $0x5FFFF  }
0x24: {  	[dreg:$0x1] =	wrdreg $0xFFFFFFFF  }
0x25: {  	[dreg:$0x0] =	wrdreg $0x60  }
0x26: {  	[dreg:$0x2] =	wrdreg s25  }
0x27: {  	[dreg:$0x3] =	wrdreg $0x9  }
0x28: {  	_ =	task.clear_ibuf [dreg:s6], $0x4FFFF;
	_ =	strace $0x90000049  }
0x29: {  	s29 =	simm.s32 $0x9;
	_ =	strace $0x8000004B  }
0x2a: {  	_ =	swait.ge [sflag:s29], $0x1  }
0x2b: {  	[sflag:s29] =	ssyncadd.s32 $0xFFFFFFFF  }
0x2c: {  	_ =	strace $0x9000004B  }
0x2d: {  	_ =	sfence  }
0x2e: {  	s30 =	sld [smem:$0x0];
	_ =	sdelay $0x2  }
0x2f: {  	s31 =	sshll.u32 s3, $0xD;
	s3 =	sshrl.u32 s3, $0x2  }
0x30: {  	s2 =	sand.u32 $0x4000, s31;
	s1 =	sadd.s32 s3, s30  }
0x31: {  	s0 =	sor.u32 s2, s0;
	s1 =	sshll.u32 s1, $0x11  }
0x32: {  	s0 =	sor.u32 s1, s0  }
0x33: {  	s0 =	sadd.s32 $0x8F2B, s0  }
0x34: {  	[sflag:s0] =	ssyncadd.remote.s32 $0x1  }
0x35: {  	_ =	sfence.sel $0xFFFF  }
0x36: {  	[dreg:$0x0] =	wrdreg $0xFFFFFFFF;
	(pc) =	sbr.abs _section_cstart, $3  }
0x37: {  	[dreg:$0x1] =	wrdreg $0xFFFFFFFF  }
0x38: {  	_ =	task.clear_ibuf [dreg:s6], $0x2FFFF;
	_ =	strace $0x9FFFFFFF  }
0x39: {  	(tm) =	ssettm $0x7FFFFFFF  }
tec
execute0_lowered:
.L_overlay_start_1:
0x0: {  	(tag) =	ssettag $0x1  }
0x1: {  	s0 =	srdreg.scid  }
0x2: {  	s5 =	rddreg [dreg:$0x0];
	s1 =	stileid.u32;
	s4 =	simm.s32 $0x1  }
0x3: {  	s6 =	simm.s32 $0x2;
	s8 =	simm.s32 $0x0;
	s2 =	sshll.u32 s0, $0x4  }
0x4: {  	s9 =	simm.s32 $0x0;
	s13 =	simm.s32 $0x0;
	s2 =	sand.u32 $0x10, s2  }
.Ltmp0:
0x5: {  	s10 =	simm.s32 $0x0;
	s3 =	sor.u32 s1, s2;
	(pc) =	sbr.rel .LBB1_1-.Ltmp0, $4  }
0x6: {  	s0 =	rddreg [dreg:$0x1];
	_ =	strace $0x8000004A;
	s3 =	sshll.u32 s3, $0x4  }
0x7: {  	s12 =	simm.s32 $0x0;
	[sflag:s4] =	ssyncpa.u1 $0x0;
	s7 =	ssub.s32 $0x3D00, s3  }
0x8: {  	s2 =	sadd.s32 $0x1E9200, s5;
	[sflag:s6] =	ssyncpa.u1 $0x0;
	s6 =	sshrl.u32 s7, $0x9  }
0x9: {  	s5 =	sadd.s32 $0xC00, s5;
	s11 =	smov.u32 s3;
	s7 =	sadd.s32 $0x2, s6  }
.LBB1_7:
0xa: {  	s15 =	sshll.u32 s12, $0xF  }
0xb: {  	s15 =	sand.u32 $0x8000, s15  }
0xc: {  	s16 =	sshll.u32 s10, $0x7;
	s15 =	sshrl.u32 s15, $0x1  }
0xd: {  	s16 =	sadd.s32 s5, s16;
	s15 =	sor.u32 $0x8000, s15  }
0xe: {  	[hbm4b:s16+s8] =	stream.linear.scatter [tilespmem:s15], [sflag:$0x2], s14, $0x38;
	[tilespmem:$0x10000] =	vst v63  }
.LBB1_8:
0xf: {  	p0 =	slt.u32 s12, $0x2  }
0x10: {  	p1 =	sgt.s32 @!p0 s13, $0x3CF9  }
0x11: {  	s14 =	smov.u32 s13;
	s15 =	sshra.s32 @!p0 s13, $0x1F;
	p1 =	por !p1, p0  }
0x12: {  	s13 =	sand.u32 @!p0 s15, s13;
	s14 =	simm.s32 @p1 $0x3CF9  }
0x13: {  	s13 =	ssub.s32 @!p0 s14, s13  }
0x14: {  	s13 =	sadd.s32 @!p0 $0xFFFFC307, s13  }
0x15: {  	s14 =	sshll.u32 @!p0 s13, $0xC  }
0x16: {  	p1 =	sgt.s32 @!p0 s13, $0xF;
	s13 =	ssub.s32 @!p0 $0x10000, s14  }
0x17: {  	s15 =	sadd.s32 $0x200, s11;
	p1 =	por !p1, p0;
	s13 =	sshrl.u32 @!p0 s13, $0x2  }
0x18: {  	s13 =	simm.s32 @!p1 $0x0;
	p1 =	sgt.s32 s15, $0x3D08  }
0x19: {  	s15 =	smov.u32 @p1 s3;
	p1 =	sne.s32 s12, s7  }
.Ltmp1:
0x1a: {  	_ = 	snop;
	(pc) =	sbr.rel @!p1 .LBB1_9-.Ltmp1, $4  }
0x1b: {  	s14 =	simm.s32 @!p0 $0x2  }
0x1c: {  	s9 =	sadd.s32 $0x8000, s9;
	_ =	swait.ge @!p0 [sflag:s14], s13;
	s16 =	ssub.s32 @!p0 $0x0, s13  }
0x1d: {  	s13 =	smov.u32 s10;
	s12 =	sadd.s32 $0x1, s12;
	[sflag:s14] =	ssyncset.done @!p0 $0x0  }
0x1e: {  	s10 =	smov.u32 s11;
	s11 =	smov.u32 s15;
	[sflag:s14] =	ssyncadd.s32 @!p0 s16  }
.LBB1_1:
0x1f: {  	p0 =	sgt.u32 s12, s6  }
0x20: {  	p1 =	sgt.s32 @!p0 s11, $0x3CF9  }
0x21: {  	s14 =	smov.u32 s11;
	s15 =	sshra.s32 @!p0 s11, $0x1F;
	p1 =	por !p1, p0  }
0x22: {  	s15 =	sand.u32 @!p0 s15, s11;
	s14 =	simm.s32 @p1 $0x3CF9  }
0x23: {  	s14 =	ssub.s32 @!p0 s14, s15  }
0x24: {  	s14 =	sadd.s32 @!p0 $0xFFFFC307, s14  }
0x25: {  	s16 =	sshll.u32 @!p0 s11, $0x7;
	s17 =	simm.s32 @!p0 $0x0;
	s15 =	sshll.u32 @!p0 s14, $0xC  }
0x26: {  	p1 =	sgt.s32 @!p0 s14, $0xF;
	s14 =	ssub.s32 @!p0 $0x10000, s15;
	s15 =	sxor.u32 @!p0 $0xFFFFFFFF, s12  }
0x27: {  	p1 =	por !p1, p0;
	s14 =	sshrl.u32 @!p0 s14, $0x2;
	s15 =	sshll.u32 @!p0 s15, $0xE  }
0x28: {  	s16 =	sadd.s32 @!p0 s2, s16;
	s14 =	simm.s32 @!p1 $0x0;
	s15 =	sand.u32 @!p0 $0x4000, s15  }
0x29: {  	[tilespmem:s15], [sflag:$0x1] =	stream.linear.gather @!p0 [hbm4b:s16+s17], s14, $0x38;
	[tilespmem:$0x10000] =	vst v63  }
0x2a: {  	p0 =	seq.s32 s12, $0x0  }
0x2b: {  	p1 =	sge.u32 @!p0 s12, s7  }
0x2c: {  	p0 =	por p0, p1  }
.Ltmp2:
0x2d: {  	_ = 	snop;
	(pc) =	sbr.rel @p0 .LBB1_8-.Ltmp2, $1  }
0x2e: {  	_ =	sdelay $0x3  }
0x2f: {  	p0 =	sgt.s32 s10, $0x3CF9;
	s14 =	smov.u32 s10;
	s15 =	sshra.s32 s10, $0x1F  }
0x30: {  	s14 =	simm.s32 @!p0 $0x3CF9;
	s15 =	sand.u32 s15, s10  }
0x31: {  	s14 =	ssub.s32 s14, s15  }
0x32: {  	s16 =	sadd.s32 $0x10, s10;
	s14 =	sadd.s32 $0xFFFFC307, s14  }
0x33: {  	p1 =	slt.s32 s16, $0x3D09;
	s30 =	sshll.u32 s14, $0xC  }
0x34: {  	s16 =	simm.s32 @!p1 $0x3D09;
	s15 =	ssub.s32 $0x10000, s30  }
0x35: {  	p0 =	sgt.s32 s14, $0xF;
	s14 =	sshrl.u32 s15, $0x2;
	s15 =	ssub.s32 s16, s10  }
0x36: {  	s14 =	simm.s32 @p0 $0x0;
	p0 =	slt.s32 s15, $0x1  }
.Ltmp3:
0x37: {  	_ = 	snop;
	(pc) =	sbr.rel @p0 .LBB1_7-.Ltmp3, $4  }
0x38: {  	_ = 	snop  }
0x39: {  	_ =	swait.ge [sflag:s4], s14  }
0x3a: {  	s31 =	ssub.s32 $0x0, s14;
	[sflag:s4] =	ssyncset.done $0x0  }
0x3b: {  	[sflag:s4] =	ssyncadd.s32 s31  }
0x3c: {  	s16 =	sshrl.u32 s9, $0x1  }
0x3d: {  	s17 =	sand.u32 $0x4000, s16  }
0x3e: {  	s18 =	simm.s32 $0x0;
	s16 =	sor.u32 $0x200, s17;
	s17 =	sor.u32 $0x8080, s17  }
.LBB1_4:
0x3f: {  	v0 =	vld [tilespmem:s16+$0xFFFFFE70]  }
0x40: {  	v1 =	vld [tilespmem:s16+$0x70]  }
0x41: {  	v2 =	vld [tilespmem:s16+$0x0]  }
0x42: {  	v3 =	vld [tilespmem:s16+$0xFFFFFE10]  }
0x43: {  	v4 =	vld [tilespmem:s16+$0x10]  }
0x44: {  	v5 =	vld [tilespmem:s16+$0xFFFFFE20]  }
0x45: {  	v7 =	vld [tilespmem:s16+$0x20]  }
0x46: {  	v11 =	vld [tilespmem:s16+$0x30];
	v6 =	vunpack.i.l.s16.s32 v0;
	v8 =	vunpack.i.u.s16.s32 v0;
	v9 =	vunpack.i.u.s16.s32 v1  }
0x47: {  	v10 =	vunpack.i.l.s16.s32 v1;
	v0 =	vunpack.i.u.s16.s32 v2;
	v1 =	vunpack.i.l.s16.s32 v2;
	v2 =	vld [tilespmem:s16+$0xFFFFFE30]  }
0x48: {  	v8 =	vpack.i.b32.b16 v9, v8;
	v9 =	vunpack.i.u.s16.s32 v3;
	v3 =	vunpack.i.l.s16.s32 v3  }
0x49: {  	v12 =	vld [tilespmem:s16+$0xFFFFFE40];
	v6 =	vpack.i.b32.b16 v10, v6;
	[tilespmem:s17+$0x70] =	vst v8;
	v8 =	vunpack.i.u.s16.s32 v4;
	v4 =	vunpack.i.l.s16.s32 v4  }
0x4a: {  	v13 =	vld [tilespmem:s16+$0x40];
	v10 =	vunpack.i.u.s16.s32 v5;
	v5 =	vunpack.i.l.s16.s32 v5;
	[tilespmem:s17+$0xFFFFFFF0] =	vst v6;
	v3 =	vpack.i.b32.b16 v4, v3  }
0x4b: {  	v6 =	vunpack.i.l.s16.s32 v7;
	v4 =	vld [tilespmem:s16+$0xFFFFFE50];
	[tilespmem:s17+$0xFFFFFF90] =	vst v3;
	v3 =	vpack.i.b32.b16 v8, v9;
	v8 =	vunpack.i.u.s16.s32 v7  }
0x4c: {  	v7 =	vunpack.i.l.s16.s32 v11;
	[tilespmem:s17+$0x10] =	vst v3;
	v3 =	vpack.i.b32.b16 v6, v5;
	v9 =	vunpack.i.u.s16.s32 v2;
	v6 =	vld [tilespmem:s16+$0x50]  }
0x4d: {  	v5 =	vunpack.i.l.s16.s32 v2;
	v2 =	vld [tilespmem:s16+$0xFFFFFE60];
	[tilespmem:s17+$0xFFFFFFA0] =	vst v3;
	v3 =	vpack.i.b32.b16 v8, v10;
	v10 =	vunpack.i.u.s16.s32 v11  }
0x4e: {  	s21 =	simm.s32 $0x0;
	v11 =	vpack.i.b32.b16 v7, v5;
	v7 =	vunpack.i.u.s16.s32 v12;
	v8 =	vunpack.i.l.s16.s32 v12;
	[tilespmem:s17+$0x20] =	vst v3;
	v3 =	vld [tilespmem:s16+$0x60]  }
0x4f: {  	s22 =	sadd.s32 $0x80, s16;
	s20 =	smov.u32 s17;
	s19 =	smov.u32 s17;
	v5 =	vld [tilespmem:s16+$0xFFFFFE00];
	[tilespmem:s17+$0xFFFFFFB0] =	vst v11;
	v10 =	vpack.i.b32.b16 v10, v9;
	v9 =	vunpack.i.u.s16.s32 v13;
	v11 =	vunpack.i.l.s16.s32 v13  }
.LBB1_5:
0x50: {  	v12 =	vld [tilespmem:s22+$0xFFFFFE70];
	[tilespmem:s20+$0x30] =	vst v10;
	v8 =	vpack.i.b32.b16 v11, v8;
	v10 =	vunpack.i.u.s16.s32 v4;
	v4 =	vunpack.i.l.s16.s32 v4  }
0x51: {  	s21 =	sadd.s32 $0x2, s21;
	v7 =	vpack.i.b32.b16 v9, v7;
	v11 =	vld [tilespmem:s22+$0x70];
	[tilespmem:s20+$0xFFFFFFC0] =	vst v8;
	v8 =	vunpack.i.u.s16.s32 v6;
	v6 =	vunpack.i.l.s16.s32 v6  }
0x52: {  	p0 =	slt.u32 s21, $0x6;
	v9 =	vld [tilespmem:s22+$0x0];
	[tilespmem:s20+$0x40] =	vst v7;
	v4 =	vpack.i.b32.b16 v6, v4;
	v6 =	vunpack.i.u.s16.s32 v2;
	v2 =	vunpack.i.l.s16.s32 v2  }
0x53: {  	v7 =	vld [tilespmem:s22+$0xFFFFFE10];
	[tilespmem:s20+$0xFFFFFFD0] =	vst v4;
	v4 =	vpack.i.b32.b16 v8, v10;
	v8 =	vunpack.i.u.s16.s32 v3;
	v3 =	vunpack.i.l.s16.s32 v3  }
0x54: {  	v10 =	vld [tilespmem:s22+$0x10];
	v13 =	vunpack.i.u.s16.s32 v5;
	v5 =	vunpack.i.l.s16.s32 v5;
	[tilespmem:s20+$0x50] =	vst v4;
	v2 =	vpack.i.b32.b16 v3, v2  }
0x55: {  	v3 =	vld [tilespmem:s22+$0xFFFFFE20];
	v4 =	vunpack.i.l.s16.s32 v12;
	v1 =	vpack.i.b32.b16 v1, v5;
	v5 =	vpack.i.b32.b16 v0, v13;
	[tilespmem:s20+$0xFFFFFFE0] =	vst v2  }
0x56: {  	v12 =	vunpack.i.u.s16.s32 v12;
	v2 =	vld [tilespmem:s22+$0x20];
	v13 =	vunpack.i.u.s16.s32 v11;
	v11 =	vunpack.i.l.s16.s32 v11;
	[tilespmem:s20+$0xFFFFFF80] =	vst v1  }
0x57: {  	s20 =	sadd.s32 $0x100, s20;
	v0 =	vunpack.i.u.s16.s32 v9;
	v1 =	vunpack.i.l.s16.s32 v9;
	v9 =	vld [tilespmem:s22+$0xFFFFFE30];
	v12 =	vpack.i.b32.b16 v13, v12;
	[tilespmem:s19+$0x0] =	vst v5  }
0x58: {  	v6 =	vpack.i.b32.b16 v8, v6;
	v5 =	vunpack.i.u.s16.s32 v7;
	v7 =	vunpack.i.l.s16.s32 v7;
	v13 =	vld [tilespmem:s22+$0x30];
	[tilespmem:s20+$0x70] =	vst v12  }
0x59: {  	v4 =	vpack.i.b32.b16 v11, v4;
	v8 =	vunpack.i.u.s16.s32 v10;
	v10 =	vunpack.i.l.s16.s32 v10;
	v12 =	vld [tilespmem:s22+$0xFFFFFE40];
	[tilespmem:s19+$0x60] =	vst v6;
	s19 =	smov.u32 s20  }
0x5a: {  	v6 =	vpack.i.b32.b16 v10, v7;
	v7 =	vunpack.i.u.s16.s32 v3;
	v3 =	vunpack.i.l.s16.s32 v3;
	v11 =	vld [tilespmem:s22+$0x40];
	[tilespmem:s20+$0xFFFFFFF0] =	vst v4  }
.Ltmp4:
0x5b: {  	v5 =	vpack.i.b32.b16 v8, v5;
	[tilespmem:s20+$0xFFFFFF90] =	vst v6;
	v8 =	vunpack.i.u.s16.s32 v2;
	v2 =	vunpack.i.l.s16.s32 v2;
	v4 =	vld [tilespmem:s22+$0xFFFFFE50];
	(pc) =	sbr.rel @p0 .LBB1_5-.Ltmp4, $4  }
0x5c: {  	[tilespmem:s20+$0x10] =	vst v5;
	v2 =	vpack.i.b32.b16 v2, v3;
	v10 =	vunpack.i.u.s16.s32 v9;
	v3 =	vunpack.i.l.s16.s32 v9;
	v6 =	vld [tilespmem:s22+$0x50]  }
0x5d: {  	v5 =	vpack.i.b32.b16 v8, v7;
	[tilespmem:s20+$0xFFFFFFA0] =	vst v2;
	v9 =	vunpack.i.u.s16.s32 v13;
	v7 =	vunpack.i.l.s16.s32 v13;
	v2 =	vld [tilespmem:s22+$0xFFFFFE60]  }
0x5e: {  	[tilespmem:s20+$0x20] =	vst v5;
	v13 =	vpack.i.b32.b16 v7, v3;
	v7 =	vunpack.i.u.s16.s32 v12;
	v8 =	vunpack.i.l.s16.s32 v12;
	v3 =	vld [tilespmem:s22+$0x60]  }
0x5f: {  	v10 =	vpack.i.b32.b16 v9, v10;
	v5 =	vld [tilespmem:s22+$0xFFFFFE00];
	[tilespmem:s20+$0xFFFFFFB0] =	vst v13;
	v9 =	vunpack.i.u.s16.s32 v11;
	v11 =	vunpack.i.l.s16.s32 v11;
	s22 =	sadd.s32 $0x80, s22  }
0x60: {  	[tilespmem:s20+$0x30] =	vst v10;
	v8 =	vpack.i.b32.b16 v11, v8  }
0x61: {  	v51 =	vunpack.i.l.s16.s32 v4;
	v7 =	vpack.i.b32.b16 v9, v7;
	[tilespmem:s20+$0xFFFFFFC0] =	vst v8;
	v52 =	vunpack.i.l.s16.s32 v6  }
0x62: {  	v53 =	vunpack.i.u.s16.s32 v4;
	s18 =	sadd.s32 $0x1, s18;
	v54 =	vunpack.i.u.s16.s32 v6;
	[tilespmem:s20+$0x40] =	vst v7;
	v55 =	vpack.i.b32.b16 v52, v51  }
0x63: {  	p0 =	sne.s32 s18, s15;
	v56 =	vunpack.i.l.s16.s32 v2;
	v4 =	vpack.i.b32.b16 v54, v53;
	[tilespmem:s20+$0xFFFFFFD0] =	vst v55;
	v57 =	vunpack.i.l.s16.s32 v3  }
.Ltmp5:
0x64: {  	[tilespmem:s20+$0x50] =	vst v4;
	v58 =	vunpack.i.l.s16.s32 v5;
	v59 =	vpack.i.b32.b16 v57, v56;
	(pc) =	sbr.rel @p0 .LBB1_4-.Ltmp5, $4  }
.Ltmp6:
0x65: {  	v61 =	vunpack.i.u.s16.s32 v2;
	v62 =	vunpack.i.u.s16.s32 v3;
	v1 =	vpack.i.b32.b16 v1, v58;
	[tilespmem:s20+$0xFFFFFFE0] =	vst v59;
	(pc) =	sbr.rel @!p0 .LBB1_7-.Ltmp6, $4  }
0x66: {  	v60 =	vunpack.i.u.s16.s32 v5;
	v63 =	vpack.i.b32.b16 v62, v61;
	[tilespmem:s20+$0xFFFFFF80] =	vst v1  }
0x67: {  	v0 =	vpack.i.b32.b16 v0, v60;
	[tilespmem:s19+$0x60] =	vst v63  }
0x68: {  	s16 =	sadd.s32 $0x400, s16;
	s17 =	sadd.s32 $0x400, s17;
	[tilespmem:s19+$0x0] =	vst v0  }
0x69: {  	_ = 	snop  }
.LBB1_9:
0x6a: {  	_ =	sfence.sel $0x180000  }
0x6b: {  	s2 =	simm.s32 $0x1;
	[bflag:$0x0] =	sbarrier.arrive $0xFFFF  }
0x6c: {  	s31 =	simm.s32 $0x2;
	[sflag:s2] =	ssyncpa.u1 $0x1  }
0x6d: {  	[sflag:s31] =	ssyncpa.u1 $0x1  }
0x6e: {  	p0 =	sne.s32 s1, $0x0;
	_ =	strace $0x9000004A  }
0x6f: {  	s0 =	sadd.s32 @!p0 $0x100000, s0;
	[bflag:$0x2] =	sbarrier.arrive $0xFFFF  }
0x70: {  	[sflag:s0] =	ssyncadd.tile.s32 @!p0 $0x1;
	_ =	shalt  }
.Lfunc_end1:
_tile_overlayer_lowered:
.L_overlay_start_2:
0x71: {  	(tag) =	ssettag $0x2  }
0x72: {  	s0 =	rddreg [dreg:$0x0];
	s2 =	stileid.u32  }
0x73: {  	s1 =	rddreg [dreg:$0x1];
	p0 =	sne.s32 s2, $0x0  }
0x74: {  	s3 =	rddreg [dreg:$0x2];
	[bflag:$0x3] =	sbarrier.arrive $0xFFFF;
	s2 =	simm.s32 @!p0 $0x1C01  }
0x75: {  	[timem:s3], [sflag:s2] =	dma.local @!p0 [hbm:s0], s1  }
0x76: {  	s0 =	simm.s32 @!p0 $0x1  }
0x77: {  	_ =	swait.ge @!p0 [sflag:s0], s1  }
0x78: {  	s1 =	ssub.s32 @!p0 $0x0, s1;
	[sflag:s0] =	ssyncset.done @!p0 $0x0  }
0x79: {  	[sflag:s0] =	ssyncadd.s32 @!p0 s1  }
0x7a: {  	[bflag:$0x3] =	sbarrier.arrive $0xFFFF  }
0x7b: {  	_ =	shalt  }

</sc_bundles>
